<compile_context>
chip_gen: v7x
topology: tpu7x:2x2x1
jax: 0.10.2.dev20260603
libtpu: 0.0.44.dev20260713+nightly
codegen_flags: <defaults>
</compile_context>

<pallas_src>
import functools

import jax
import jax.numpy as jnp
from jax import lax
from jax.experimental import pallas as pl
from jax.experimental.pallas import tpu as pltpu
from jax.experimental.pallas import tpu_sc as plsc

_D = 64
_IMG_DIM = 1536
_BATCH = 16384

_NC = 2
_NS = 16
_NW = _NC * _NS
_B_PER_W = _BATCH // _NW
_WIN = 4


def _gather_body(idx_hbm, table_hbm, out_hbm, idx_v, rows_v, sem):
    wid = lax.axis_index("s") * _NC + lax.axis_index("c")
    pltpu.sync_copy(idx_hbm.at[pl.ds(wid * _B_PER_W, _B_PER_W)], idx_v)

    n_batches = _B_PER_W // 16

    def drain_one_batch():
        pltpu.make_async_copy(
            table_hbm.at[pl.ds(0, 16), :],
            rows_v.at[pl.ds(0, 16), :],
            sem,
        ).wait()

    def step(j, _):
        base = j * 16
        iv = idx_v[pl.ds(base, 16)]
        for l in range(16):
            pltpu.async_copy(
                table_hbm.at[pl.ds(iv[l], 1), :],
                rows_v.at[pl.ds(base + l, 1), :],
                sem,
            )

        @pl.when(j >= _WIN)
        def _d():
            drain_one_batch()

        return _

    lax.fori_loop(0, n_batches, step, 0)
    for _j in range(_WIN):
        drain_one_batch()
    pltpu.sync_copy(rows_v, out_hbm.at[pl.ds(wid * _B_PER_W, _B_PER_W)])


@functools.cache
def _sc_gather():
    return pl.kernel(
        _gather_body,
        mesh=plsc.VectorSubcoreMesh(core_axis_name="c", subcore_axis_name="s"),
        out_type=jax.ShapeDtypeStruct((_BATCH, _D), jnp.float32),
        scratch_types=[
            pltpu.VMEM((_B_PER_W,), jnp.int32),
            pltpu.VMEM((_B_PER_W, _D), jnp.float32),
            pltpu.SemaphoreType.DMA,
        ],
    )


def _mm_body(x_ref, w_ref, b_ref, o_ref):
    o_ref[...] = (
        lax.dot_general(
            x_ref[...], w_ref[...],
            (((1,), (1,)), ((), ())),
            preferred_element_type=jnp.float32,
        )
        + b_ref[...]
    )


_BM = 512


def _tc_matmul(images, img_fc_w, b2d):
    return pl.pallas_call(
        _mm_body,
        grid=(_BATCH // _BM,),
        in_specs=[
            pl.BlockSpec((_BM, _IMG_DIM), lambda i: (i, 0)),
            pl.BlockSpec((_D, _IMG_DIM), lambda i: (0, 0)),
            pl.BlockSpec((1, _D), lambda i: (0, 0)),
        ],
        out_specs=pl.BlockSpec((_BM, _D), lambda i: (i, 0)),
        out_shape=jax.ShapeDtypeStruct((_BATCH, _D), jnp.float32),
    )(images, img_fc_w, b2d)


def kernel(users, images, u_emb_table, img_fc_w, img_fc_b):
    idx = users.astype(jnp.int32)
    u_embeddings = _sc_gather()(idx, u_emb_table)
    img_embeddings = _tc_matmul(images, img_fc_w, img_fc_b.reshape(1, _D))
    return (u_embeddings, img_embeddings)

# --- scband reference (transcript-rebuilt; emitter-appended) ---
"""Pipeline reference for scband-image-autorship-embedding-block-46840913330224 (READ-ONLY COPY).

The authoritative reference and input builder live on the scoring server;
editing this copy changes nothing except your own understanding.
"""

import jax, jax.numpy as jnp
import numpy as np

D = 64
NUSERS = 1000000
BATCH = 16384
IMG_DIM = 1536


def setup_inputs(seed: int = 0) -> dict:
    key = jax.random.key(seed)
    k1, k2, k3, k4, k5 = jax.random.split(key, 5)
    users = jax.random.randint(k1, (BATCH,), 0, NUSERS, dtype=jnp.int64 if jax.config.jax_enable_x64 else jnp.int32)
    images = jax.random.normal(k2, (BATCH, IMG_DIM), dtype=jnp.float32)
    # learned parameters
    u_emb_table = jax.random.normal(k3, (NUSERS, D), dtype=jnp.float32)
    # nn.Linear(1536, d): weight [d, 1536], bias [d]
    bound = 1.0 / np.sqrt(IMG_DIM)
    img_fc_w = jax.random.uniform(k4, (D, IMG_DIM), dtype=jnp.float32, minval=-bound, maxval=bound)
    img_fc_b = jax.random.uniform(k5, (D,), dtype=jnp.float32, minval=-bound, maxval=bound)
    return {"users": users, "images": images, "u_emb_table": u_emb_table, "img_fc_w": img_fc_w, "img_fc_b": img_fc_b}


def reference(users, images, u_emb_table, img_fc_w, img_fc_b):
    # u_embeddings = self.u_emb(users)
    u_embeddings = jnp.take(u_emb_table, users, axis=0)
    # img_embeddings = self.img_fc(images)
    img_embeddings = images @ img_fc_w.T + img_fc_b
    return (u_embeddings, img_embeddings)

if __name__ == "__main__":
    import jax
    _d = setup_inputs()
    print(jax.jit(kernel)(*tuple(_d.values())))

</pallas_src>

<mosaic_0001>
#map = affine_map<(d0, d1) -> (0)>
#map1 = affine_map<(d0, d1) -> (0, 0)>
module attributes {stable_mosaic.version = 14 : i64} {
  func.func @_gather_body(%arg0: i32, %arg1: i32, %arg2: memref<16384xi32, #tpu.memory_space<hbm>>, %arg3: memref<1000000x64xf32, #tpu.memory_space<hbm>>, %arg4: memref<16384x64xf32, #tpu.memory_space<hbm>>, %arg5: memref<512xi32, #tpu.memory_space<vmem>>, %arg6: memref<512x64xf32, #tpu.memory_space<vmem>>, %arg7: memref<!tpu.dma_semaphore, #tpu.memory_space<semaphore_mem>>) attributes {dimension_semantics = [#tpu.dimension_semantics<core_parallel>, #tpu.dimension_semantics<subcore_parallel>], iteration_bounds = array<i64: 2, 16>, scalar_prefetch = 0 : i64, scratch_operands = 3 : i64, tpu.core_type = #tpu.core_type<sc_vector_subcore>, window_params = [{transform_indices = #map}, {transform_indices = #map1}, {transform_indices = #map1}]} {
    %mul3A = arith.constant 2 : i32
    %mul3A_0 = arith.muli %arg1, %mul3A : i32
    %add3A = arith.addi %mul3A_0, %arg0 : i32
    %mul3A_1 = arith.constant 512 : i32
    %mul3A_2 = arith.muli %add3A, %mul3A_1 : i32
    "tpu.region"() ({
      %run_scoped3A = tpu.sem_alloc : memref<!tpu.dma_semaphore, #tpu.memory_space<semaphore_mem>>
      %dma_start3A = tpu.memref_slice %arg2[%mul3A_2] : memref<16384xi32, #tpu.memory_space<hbm>> -> memref<512xi32, #tpu.memory_space<hbm>>
      %dma_start3A_57 = tpu.memref_slice %arg2[%mul3A_2] : memref<16384xi32, #tpu.memory_space<hbm>> -> memref<512xi32, #tpu.memory_space<hbm>>
      tpu.enqueue_dma source(%dma_start3A_57 : memref<512xi32, #tpu.memory_space<hbm>>) target(%arg5 : memref<512xi32, #tpu.memory_space<vmem>>) target_semaphore(%run_scoped3A : memref<!tpu.dma_semaphore, #tpu.memory_space<semaphore_mem>>)
      %dma_wait3A_58 = tpu.memref_slice %arg2[%mul3A_2] : memref<16384xi32, #tpu.memory_space<hbm>> -> memref<512xi32, #tpu.memory_space<hbm>>
      %dma_wait3A_59 = tpu.memref_slice %arg2[%mul3A_2] : memref<16384xi32, #tpu.memory_space<hbm>> -> memref<512xi32, #tpu.memory_space<hbm>>
      tpu.wait_dma2 semaphore(%run_scoped3A : memref<!tpu.dma_semaphore, #tpu.memory_space<semaphore_mem>>) src(%dma_wait3A_59 : memref<512xi32, #tpu.memory_space<hbm>>) dst(%arg5 : memref<512xi32, #tpu.memory_space<vmem>>)
      tpu.yield
    }) : () -> ()
    %scan3A = arith.constant 0 : i32
    %scan3A_3 = arith.constant 0 : i32
    %scan3A_4 = arith.constant 32 : i32
    %scan3A_5 = arith.addi %scan3A_3, %scan3A_4 : i32
    %scan3A_6 = arith.constant 1 : i32
    scf.for %scan3A_57 = %scan3A_3 to %scan3A_5 step %scan3A_6  : i32 {
      %mul3A_58 = arith.constant 16 : i32
      %mul3A_59 = arith.muli %scan3A_57, %mul3A_58 : i32
      %get3A = arith.index_cast %mul3A_59 : i32 to index
      %get3A_60 = tpu.vector_load %arg5[%get3A] {strides = array<i32>} : memref<512xi32, #tpu.memory_space<vmem>>, vector<16xi32>,
      %get3A_61 = vector.shape_cast %get3A_60 : vector<16xi32> to vector<16xi32>
      %slice3A = vector.extract_strided_slice %get3A_61 {offsets = [0], sizes = [1], strides = [1]} : vector<16xi32> to vector<1xi32>
      %squeeze3A = vector.extract %slice3A[0] : i32 from vector<1xi32>
      %add3A_62 = arith.constant 0 : i32
      %add3A_63 = arith.addi %mul3A_59, %add3A_62 : i32
      %dma_start3A = arith.constant 0 : i32
      %dma_start3A_64 = tpu.memref_slice %arg6[%add3A_63, %dma_start3A] : memref<512x64xf32, #tpu.memory_space<vmem>> -> memref<1x64xf32, #tpu.memory_space<vmem>>
      %dma_start3A_65 = arith.constant 0 : i32
      %dma_start3A_66 = tpu.memref_slice %arg3[%squeeze3A, %dma_start3A_65] : memref<1000000x64xf32, #tpu.memory_space<hbm>> -> memref<1x64xf32, #tpu.memory_space<hbm>>
      %dma_start3A_67 = arith.constant 0 : i32
      %dma_start3A_68 = tpu.memref_slice %arg6[%add3A_63, %dma_start3A_67] : memref<512x64xf32, #tpu.memory_space<vmem>> -> memref<1x64xf32, #tpu.memory_space<vmem>>
      %dma_start3A_69 = arith.constant 0 : i32
      %dma_start3A_70 = tpu.memref_slice %arg3[%squeeze3A, %dma_start3A_69] : memref<1000000x64xf32, #tpu.memory_space<hbm>> -> memref<1x64xf32, #tpu.memory_space<hbm>>
      tpu.enqueue_dma source(%dma_start3A_70 : memref<1x64xf32, #tpu.memory_space<hbm>>) target(%dma_start3A_68 : memref<1x64xf32, #tpu.memory_space<vmem>>) target_semaphore(%arg7 : memref<!tpu.dma_semaphore, #tpu.memory_space<semaphore_mem>>)
      %slice3A_71 = vector.extract_strided_slice %get3A_61 {offsets = [1], sizes = [1], strides = [1]} : vector<16xi32> to vector<1xi32>
      %squeeze3A_72 = vector.extract %slice3A_71[0] : i32 from vector<1xi32>
      %add3A_73 = arith.constant 1 : i32
      %add3A_74 = arith.addi %mul3A_59, %add3A_73 : i32
      %dma_start3A_75 = arith.constant 0 : i32
      %dma_start3A_76 = tpu.memref_slice %arg6[%add3A_74, %dma_start3A_75] : memref<512x64xf32, #tpu.memory_space<vmem>> -> memref<1x64xf32, #tpu.memory_space<vmem>>
      %dma_start3A_77 = arith.constant 0 : i32
      %dma_start3A_78 = tpu.memref_slice %arg3[%squeeze3A_72, %dma_start3A_77] : memref<1000000x64xf32, #tpu.memory_space<hbm>> -> memref<1x64xf32, #tpu.memory_space<hbm>>
      %dma_start3A_79 = arith.constant 0 : i32
      %dma_start3A_80 = tpu.memref_slice %arg6[%add3A_74, %dma_start3A_79] : memref<512x64xf32, #tpu.memory_space<vmem>> -> memref<1x64xf32, #tpu.memory_space<vmem>>
      %dma_start3A_81 = arith.constant 0 : i32
      %dma_start3A_82 = tpu.memref_slice %arg3[%squeeze3A_72, %dma_start3A_81] : memref<1000000x64xf32, #tpu.memory_space<hbm>> -> memref<1x64xf32, #tpu.memory_space<hbm>>
      tpu.enqueue_dma source(%dma_start3A_82 : memref<1x64xf32, #tpu.memory_space<hbm>>) target(%dma_start3A_80 : memref<1x64xf32, #tpu.memory_space<vmem>>) target_semaphore(%arg7 : memref<!tpu.dma_semaphore, #tpu.memory_space<semaphore_mem>>)
      %slice3A_83 = vector.extract_strided_slice %get3A_61 {offsets = [2], sizes = [1], strides = [1]} : vector<16xi32> to vector<1xi32>
      %squeeze3A_84 = vector.extract %slice3A_83[0] : i32 from vector<1xi32>
      %add3A_85 = arith.constant 2 : i32
      %add3A_86 = arith.addi %mul3A_59, %add3A_85 : i32
      %dma_start3A_87 = arith.constant 0 : i32
      %dma_start3A_88 = tpu.memref_slice %arg6[%add3A_86, %dma_start3A_87] : memref<512x64xf32, #tpu.memory_space<vmem>> -> memref<1x64xf32, #tpu.memory_space<vmem>>
      %dma_start3A_89 = arith.constant 0 : i32
      %dma_start3A_90 = tpu.memref_slice %arg3[%squeeze3A_84, %dma_start3A_89] : memref<1000000x64xf32, #tpu.memory_space<hbm>> -> memref<1x64xf32, #tpu.memory_space<hbm>>
      %dma_start3A_91 = arith.constant 0 : i32
      %dma_start3A_92 = tpu.memref_slice %arg6[%add3A_86, %dma_start3A_91] : memref<512x64xf32, #tpu.memory_space<vmem>> -> memref<1x64xf32, #tpu.memory_space<vmem>>
      %dma_start3A_93 = arith.constant 0 : i32
      %dma_start3A_94 = tpu.memref_slice %arg3[%squeeze3A_84, %dma_start3A_93] : memref<1000000x64xf32, #tpu.memory_space<hbm>> -> memref<1x64xf32, #tpu.memory_space<hbm>>
      tpu.enqueue_dma source(%dma_start3A_94 : memref<1x64xf32, #tpu.memory_space<hbm>>) target(%dma_start3A_92 : memref<1x64xf32, #tpu.memory_space<vmem>>) target_semaphore(%arg7 : memref<!tpu.dma_semaphore, #tpu.memory_space<semaphore_mem>>)
      %slice3A_95 = vector.extract_strided_slice %get3A_61 {offsets = [3], sizes = [1], strides = [1]} : vector<16xi32> to vector<1xi32>
      %squeeze3A_96 = vector.extract %slice3A_95[0] : i32 from vector<1xi32>
      %add3A_97 = arith.constant 3 : i32
      %add3A_98 = arith.addi %mul3A_59, %add3A_97 : i32
      %dma_start3A_99 = arith.constant 0 : i32
      %dma_start3A_100 = tpu.memref_slice %arg6[%add3A_98, %dma_start3A_99] : memref<512x64xf32, #tpu.memory_space<vmem>> -> memref<1x64xf32, #tpu.memory_space<vmem>>
      %dma_start3A_101 = arith.constant 0 : i32
      %dma_start3A_102 = tpu.memref_slice %arg3[%squeeze3A_96, %dma_start3A_101] : memref<1000000x64xf32, #tpu.memory_space<hbm>> -> memref<1x64xf32, #tpu.memory_space<hbm>>
      %dma_start3A_103 = arith.constant 0 : i32
      %dma_start3A_104 = tpu.memref_slice %arg6[%add3A_98, %dma_start3A_103] : memref<512x64xf32, #tpu.memory_space<vmem>> -> memref<1x64xf32, #tpu.memory_space<vmem>>
      %dma_start3A_105 = arith.constant 0 : i32
      %dma_start3A_106 = tpu.memref_slice %arg3[%squeeze3A_96, %dma_start3A_105] : memref<1000000x64xf32, #tpu.memory_space<hbm>> -> memref<1x64xf32, #tpu.memory_space<hbm>>
      tpu.enqueue_dma source(%dma_start3A_106 : memref<1x64xf32, #tpu.memory_space<hbm>>) target(%dma_start3A_104 : memref<1x64xf32, #tpu.memory_space<vmem>>) target_semaphore(%arg7 : memref<!tpu.dma_semaphore, #tpu.memory_space<semaphore_mem>>)
      %slice3A_107 = vector.extract_strided_slice %get3A_61 {offsets = [4], sizes = [1], strides = [1]} : vector<16xi32> to vector<1xi32>
      %squeeze3A_108 = vector.extract %slice3A_107[0] : i32 from vector<1xi32>
      %add3A_109 = arith.constant 4 : i32
      %add3A_110 = arith.addi %mul3A_59, %add3A_109 : i32
      %dma_start3A_111 = arith.constant 0 : i32
      %dma_start3A_112 = tpu.memref_slice %arg6[%add3A_110, %dma_start3A_111] : memref<512x64xf32, #tpu.memory_space<vmem>> -> memref<1x64xf32, #tpu.memory_space<vmem>>
      %dma_start3A_113 = arith.constant 0 : i32
      %dma_start3A_114 = tpu.memref_slice %arg3[%squeeze3A_108, %dma_start3A_113] : memref<1000000x64xf32, #tpu.memory_space<hbm>> -> memref<1x64xf32, #tpu.memory_space<hbm>>
      %dma_start3A_115 = arith.constant 0 : i32
      %dma_start3A_116 = tpu.memref_slice %arg6[%add3A_110, %dma_start3A_115] : memref<512x64xf32, #tpu.memory_space<vmem>> -> memref<1x64xf32, #tpu.memory_space<vmem>>
      %dma_start3A_117 = arith.constant 0 : i32
      %dma_start3A_118 = tpu.memref_slice %arg3[%squeeze3A_108, %dma_start3A_117] : memref<1000000x64xf32, #tpu.memory_space<hbm>> -> memref<1x64xf32, #tpu.memory_space<hbm>>
      tpu.enqueue_dma source(%dma_start3A_118 : memref<1x64xf32, #tpu.memory_space<hbm>>) target(%dma_start3A_116 : memref<1x64xf32, #tpu.memory_space<vmem>>) target_semaphore(%arg7 : memref<!tpu.dma_semaphore, #tpu.memory_space<semaphore_mem>>)
      %slice3A_119 = vector.extract_strided_slice %get3A_61 {offsets = [5], sizes = [1], strides = [1]} : vector<16xi32> to vector<1xi32>
      %squeeze3A_120 = vector.extract %slice3A_119[0] : i32 from vector<1xi32>
      %add3A_121 = arith.constant 5 : i32
      %add3A_122 = arith.addi %mul3A_59, %add3A_121 : i32
      %dma_start3A_123 = arith.constant 0 : i32
      %dma_start3A_124 = tpu.memref_slice %arg6[%add3A_122, %dma_start3A_123] : memref<512x64xf32, #tpu.memory_space<vmem>> -> memref<1x64xf32, #tpu.memory_space<vmem>>
      %dma_start3A_125 = arith.constant 0 : i32
      %dma_start3A_126 = tpu.memref_slice %arg3[%squeeze3A_120, %dma_start3A_125] : memref<1000000x64xf32, #tpu.memory_space<hbm>> -> memref<1x64xf32, #tpu.memory_space<hbm>>
      %dma_start3A_127 = arith.constant 0 : i32
      %dma_start3A_128 = tpu.memref_slice %arg6[%add3A_122, %dma_start3A_127] : memref<512x64xf32, #tpu.memory_space<vmem>> -> memref<1x64xf32, #tpu.memory_space<vmem>>
      %dma_start3A_129 = arith.constant 0 : i32
      %dma_start3A_130 = tpu.memref_slice %arg3[%squeeze3A_120, %dma_start3A_129] : memref<1000000x64xf32, #tpu.memory_space<hbm>> -> memref<1x64xf32, #tpu.memory_space<hbm>>
      tpu.enqueue_dma source(%dma_start3A_130 : memref<1x64xf32, #tpu.memory_space<hbm>>) target(%dma_start3A_128 : memref<1x64xf32, #tpu.memory_space<vmem>>) target_semaphore(%arg7 : memref<!tpu.dma_semaphore, #tpu.memory_space<semaphore_mem>>)
      %slice3A_131 = vector.extract_strided_slice %get3A_61 {offsets = [6], sizes = [1], strides = [1]} : vector<16xi32> to vector<1xi32>
      %squeeze3A_132 = vector.extract %slice3A_131[0] : i32 from vector<1xi32>
      %add3A_133 = arith.constant 6 : i32
      %add3A_134 = arith.addi %mul3A_59, %add3A_133 : i32
      %dma_start3A_135 = arith.constant 0 : i32
      %dma_start3A_136 = tpu.memref_slice %arg6[%add3A_134, %dma_start3A_135] : memref<512x64xf32, #tpu.memory_space<vmem>> -> memref<1x64xf32, #tpu.memory_space<vmem>>
      %dma_start3A_137 = arith.constant 0 : i32
      %dma_start3A_138 = tpu.memref_slice %arg3[%squeeze3A_132, %dma_start3A_137] : memref<1000000x64xf32, #tpu.memory_space<hbm>> -> memref<1x64xf32, #tpu.memory_space<hbm>>
      %dma_start3A_139 = arith.constant 0 : i32
      %dma_start3A_140 = tpu.memref_slice %arg6[%add3A_134, %dma_start3A_139] : memref<512x64xf32, #tpu.memory_space<vmem>> -> memref<1x64xf32, #tpu.memory_space<vmem>>
      %dma_start3A_141 = arith.constant 0 : i32
      %dma_start3A_142 = tpu.memref_slice %arg3[%squeeze3A_132, %dma_start3A_141] : memref<1000000x64xf32, #tpu.memory_space<hbm>> -> memref<1x64xf32, #tpu.memory_space<hbm>>
      tpu.enqueue_dma source(%dma_start3A_142 : memref<1x64xf32, #tpu.memory_space<hbm>>) target(%dma_start3A_140 : memref<1x64xf32, #tpu.memory_space<vmem>>) target_semaphore(%arg7 : memref<!tpu.dma_semaphore, #tpu.memory_space<semaphore_mem>>)
      %slice3A_143 = vector.extract_strided_slice %get3A_61 {offsets = [7], sizes = [1], strides = [1]} : vector<16xi32> to vector<1xi32>
      %squeeze3A_144 = vector.extract %slice3A_143[0] : i32 from vector<1xi32>
      %add3A_145 = arith.constant 7 : i32
      %add3A_146 = arith.addi %mul3A_59, %add3A_145 : i32
      %dma_start3A_147 = arith.constant 0 : i32
      %dma_start3A_148 = tpu.memref_slice %arg6[%add3A_146, %dma_start3A_147] : memref<512x64xf32, #tpu.memory_space<vmem>> -> memref<1x64xf32, #tpu.memory_space<vmem>>
      %dma_start3A_149 = arith.constant 0 : i32
      %dma_start3A_150 = tpu.memref_slice %arg3[%squeeze3A_144, %dma_start3A_149] : memref<1000000x64xf32, #tpu.memory_space<hbm>> -> memref<1x64xf32, #tpu.memory_space<hbm>>
      %dma_start3A_151 = arith.constant 0 : i32
      %dma_start3A_152 = tpu.memref_slice %arg6[%add3A_146, %dma_start3A_151] : memref<512x64xf32, #tpu.memory_space<vmem>> -> memref<1x64xf32, #tpu.memory_space<vmem>>
      %dma_start3A_153 = arith.constant 0 : i32
      %dma_start3A_154 = tpu.memref_slice %arg3[%squeeze3A_144, %dma_start3A_153] : memref<1000000x64xf32, #tpu.memory_space<hbm>> -> memref<1x64xf32, #tpu.memory_space<hbm>>
      tpu.enqueue_dma source(%dma_start3A_154 : memref<1x64xf32, #tpu.memory_space<hbm>>) target(%dma_start3A_152 : memref<1x64xf32, #tpu.memory_space<vmem>>) target_semaphore(%arg7 : memref<!tpu.dma_semaphore, #tpu.memory_space<semaphore_mem>>)
      %slice3A_155 = vector.extract_strided_slice %get3A_61 {offsets = [8], sizes = [1], strides = [1]} : vector<16xi32> to vector<1xi32>
      %squeeze3A_156 = vector.extract %slice3A_155[0] : i32 from vector<1xi32>
      %add3A_157 = arith.constant 8 : i32
      %add3A_158 = arith.addi %mul3A_59, %add3A_157 : i32
      %dma_start3A_159 = arith.constant 0 : i32
      %dma_start3A_160 = tpu.memref_slice %arg6[%add3A_158, %dma_start3A_159] : memref<512x64xf32, #tpu.memory_space<vmem>> -> memref<1x64xf32, #tpu.memory_space<vmem>>
      %dma_start3A_161 = arith.constant 0 : i32
      %dma_start3A_162 = tpu.memref_slice %arg3[%squeeze3A_156, %dma_start3A_161] : memref<1000000x64xf32, #tpu.memory_space<hbm>> -> memref<1x64xf32, #tpu.memory_space<hbm>>
      %dma_start3A_163 = arith.constant 0 : i32
      %dma_start3A_164 = tpu.memref_slice %arg6[%add3A_158, %dma_start3A_163] : memref<512x64xf32, #tpu.memory_space<vmem>> -> memref<1x64xf32, #tpu.memory_space<vmem>>
      %dma_start3A_165 = arith.constant 0 : i32
      %dma_start3A_166 = tpu.memref_slice %arg3[%squeeze3A_156, %dma_start3A_165] : memref<1000000x64xf32, #tpu.memory_space<hbm>> -> memref<1x64xf32, #tpu.memory_space<hbm>>
      tpu.enqueue_dma source(%dma_start3A_166 : memref<1x64xf32, #tpu.memory_space<hbm>>) target(%dma_start3A_164 : memref<1x64xf32, #tpu.memory_space<vmem>>) target_semaphore(%arg7 : memref<!tpu.dma_semaphore, #tpu.memory_space<semaphore_mem>>)
      %slice3A_167 = vector.extract_strided_slice %get3A_61 {offsets = [9], sizes = [1], strides = [1]} : vector<16xi32> to vector<1xi32>
      %squeeze3A_168 = vector.extract %slice3A_167[0] : i32 from vector<1xi32>
      %add3A_169 = arith.constant 9 : i32
      %add3A_170 = arith.addi %mul3A_59, %add3A_169 : i32
      %dma_start3A_171 = arith.constant 0 : i32
      %dma_start3A_172 = tpu.memref_slice %arg6[%add3A_170, %dma_start3A_171] : memref<512x64xf32, #tpu.memory_space<vmem>> -> memref<1x64xf32, #tpu.memory_space<vmem>>
      %dma_start3A_173 = arith.constant 0 : i32
      %dma_start3A_174 = tpu.memref_slice %arg3[%squeeze3A_168, %dma_start3A_173] : memref<1000000x64xf32, #tpu.memory_space<hbm>> -> memref<1x64xf32, #tpu.memory_space<hbm>>
      %dma_start3A_175 = arith.constant 0 : i32
      %dma_start3A_176 = tpu.memref_slice %arg6[%add3A_170, %dma_start3A_175] : memref<512x64xf32, #tpu.memory_space<vmem>> -> memref<1x64xf32, #tpu.memory_space<vmem>>
      %dma_start3A_177 = arith.constant 0 : i32
      %dma_start3A_178 = tpu.memref_slice %arg3[%squeeze3A_168, %dma_start3A_177] : memref<1000000x64xf32, #tpu.memory_space<hbm>> -> memref<1x64xf32, #tpu.memory_space<hbm>>
      tpu.enqueue_dma source(%dma_start3A_178 : memref<1x64xf32, #tpu.memory_space<hbm>>) target(%dma_start3A_176 : memref<1x64xf32, #tpu.memory_space<vmem>>) target_semaphore(%arg7 : memref<!tpu.dma_semaphore, #tpu.memory_space<semaphore_mem>>)
      %slice3A_179 = vector.extract_strided_slice %get3A_61 {offsets = [10], sizes = [1], strides = [1]} : vector<16xi32> to vector<1xi32>
      %squeeze3A_180 = vector.extract %slice3A_179[0] : i32 from vector<1xi32>
      %add3A_181 = arith.constant 10 : i32
      %add3A_182 = arith.addi %mul3A_59, %add3A_181 : i32
      %dma_start3A_183 = arith.constant 0 : i32
      %dma_start3A_184 = tpu.memref_slice %arg6[%add3A_182, %dma_start3A_183] : memref<512x64xf32, #tpu.memory_space<vmem>> -> memref<1x64xf32, #tpu.memory_space<vmem>>
      %dma_start3A_185 = arith.constant 0 : i32
      %dma_start3A_186 = tpu.memref_slice %arg3[%squeeze3A_180, %dma_start3A_185] : memref<1000000x64xf32, #tpu.memory_space<hbm>> -> memref<1x64xf32, #tpu.memory_space<hbm>>
      %dma_start3A_187 = arith.constant 0 : i32
      %dma_start3A_188 = tpu.memref_slice %arg6[%add3A_182, %dma_start3A_187] : memref<512x64xf32, #tpu.memory_space<vmem>> -> memref<1x64xf32, #tpu.memory_space<vmem>>
      %dma_start3A_189 = arith.constant 0 : i32
      %dma_start3A_190 = tpu.memref_slice %arg3[%squeeze3A_180, %dma_start3A_189] : memref<1000000x64xf32, #tpu.memory_space<hbm>> -> memref<1x64xf32, #tpu.memory_space<hbm>>
      tpu.enqueue_dma source(%dma_start3A_190 : memref<1x64xf32, #tpu.memory_space<hbm>>) target(%dma_start3A_188 : memref<1x64xf32, #tpu.memory_space<vmem>>) target_semaphore(%arg7 : memref<!tpu.dma_semaphore, #tpu.memory_space<semaphore_mem>>)
      %slice3A_191 = vector.extract_strided_slice %get3A_61 {offsets = [11], sizes = [1], strides = [1]} : vector<16xi32> to vector<1xi32>
      %squeeze3A_192 = vector.extract %slice3A_191[0] : i32 from vector<1xi32>
      %add3A_193 = arith.constant 11 : i32
      %add3A_194 = arith.addi %mul3A_59, %add3A_193 : i32
      %dma_start3A_195 = arith.constant 0 : i32
      %dma_start3A_196 = tpu.memref_slice %arg6[%add3A_194, %dma_start3A_195] : memref<512x64xf32, #tpu.memory_space<vmem>> -> memref<1x64xf32, #tpu.memory_space<vmem>>
      %dma_start3A_197 = arith.constant 0 : i32
      %dma_start3A_198 = tpu.memref_slice %arg3[%squeeze3A_192, %dma_start3A_197] : memref<1000000x64xf32, #tpu.memory_space<hbm>> -> memref<1x64xf32, #tpu.memory_space<hbm>>
      %dma_start3A_199 = arith.constant 0 : i32
      %dma_start3A_200 = tpu.memref_slice %arg6[%add3A_194, %dma_start3A_199] : memref<512x64xf32, #tpu.memory_space<vmem>> -> memref<1x64xf32, #tpu.memory_space<vmem>>
      %dma_start3A_201 = arith.constant 0 : i32
      %dma_start3A_202 = tpu.memref_slice %arg3[%squeeze3A_192, %dma_start3A_201] : memref<1000000x64xf32, #tpu.memory_space<hbm>> -> memref<1x64xf32, #tpu.memory_space<hbm>>
      tpu.enqueue_dma source(%dma_start3A_202 : memref<1x64xf32, #tpu.memory_space<hbm>>) target(%dma_start3A_200 : memref<1x64xf32, #tpu.memory_space<vmem>>) target_semaphore(%arg7 : memref<!tpu.dma_semaphore, #tpu.memory_space<semaphore_mem>>)
      %slice3A_203 = vector.extract_strided_slice %get3A_61 {offsets = [12], sizes = [1], strides = [1]} : vector<16xi32> to vector<1xi32>
      %squeeze3A_204 = vector.extract %slice3A_203[0] : i32 from vector<1xi32>
      %add3A_205 = arith.constant 12 : i32
      %add3A_206 = arith.addi %mul3A_59, %add3A_205 : i32
      %dma_start3A_207 = arith.constant 0 : i32
      %dma_start3A_208 = tpu.memref_slice %arg6[%add3A_206, %dma_start3A_207] : memref<512x64xf32, #tpu.memory_space<vmem>> -> memref<1x64xf32, #tpu.memory_space<vmem>>
      %dma_start3A_209 = arith.constant 0 : i32
      %dma_start3A_210 = tpu.memref_slice %arg3[%squeeze3A_204, %dma_start3A_209] : memref<1000000x64xf32, #tpu.memory_space<hbm>> -> memref<1x64xf32, #tpu.memory_space<hbm>>
      %dma_start3A_211 = arith.constant 0 : i32
      %dma_start3A_212 = tpu.memref_slice %arg6[%add3A_206, %dma_start3A_211] : memref<512x64xf32, #tpu.memory_space<vmem>> -> memref<1x64xf32, #tpu.memory_space<vmem>>
      %dma_start3A_213 = arith.constant 0 : i32
      %dma_start3A_214 = tpu.memref_slice %arg3[%squeeze3A_204, %dma_start3A_213] : memref<1000000x64xf32, #tpu.memory_space<hbm>> -> memref<1x64xf32, #tpu.memory_space<hbm>>
      tpu.enqueue_dma source(%dma_start3A_214 : memref<1x64xf32, #tpu.memory_space<hbm>>) target(%dma_start3A_212 : memref<1x64xf32, #tpu.memory_space<vmem>>) target_semaphore(%arg7 : memref<!tpu.dma_semaphore, #tpu.memory_space<semaphore_mem>>)
      %slice3A_215 = vector.extract_strided_slice %get3A_61 {offsets = [13], sizes = [1], strides = [1]} : vector<16xi32> to vector<1xi32>
      %squeeze3A_216 = vector.extract %slice3A_215[0] : i32 from vector<1xi32>
      %add3A_217 = arith.constant 13 : i32
      %add3A_218 = arith.addi %mul3A_59, %add3A_217 : i32
      %dma_start3A_219 = arith.constant 0 : i32
      %dma_start3A_220 = tpu.memref_slice %arg6[%add3A_218, %dma_start3A_219] : memref<512x64xf32, #tpu.memory_space<vmem>> -> memref<1x64xf32, #tpu.memory_space<vmem>>
      %dma_start3A_221 = arith.constant 0 : i32
      %dma_start3A_222 = tpu.memref_slice %arg3[%squeeze3A_216, %dma_start3A_221] : memref<1000000x64xf32, #tpu.memory_space<hbm>> -> memref<1x64xf32, #tpu.memory_space<hbm>>
      %dma_start3A_223 = arith.constant 0 : i32
      %dma_start3A_224 = tpu.memref_slice %arg6[%add3A_218, %dma_start3A_223] : memref<512x64xf32, #tpu.memory_space<vmem>> -> memref<1x64xf32, #tpu.memory_space<vmem>>
      %dma_start3A_225 = arith.constant 0 : i32
      %dma_start3A_226 = tpu.memref_slice %arg3[%squeeze3A_216, %dma_start3A_225] : memref<1000000x64xf32, #tpu.memory_space<hbm>> -> memref<1x64xf32, #tpu.memory_space<hbm>>
      tpu.enqueue_dma source(%dma_start3A_226 : memref<1x64xf32, #tpu.memory_space<hbm>>) target(%dma_start3A_224 : memref<1x64xf32, #tpu.memory_space<vmem>>) target_semaphore(%arg7 : memref<!tpu.dma_semaphore, #tpu.memory_space<semaphore_mem>>)
      %slice3A_227 = vector.extract_strided_slice %get3A_61 {offsets = [14], sizes = [1], strides = [1]} : vector<16xi32> to vector<1xi32>
      %squeeze3A_228 = vector.extract %slice3A_227[0] : i32 from vector<1xi32>
      %add3A_229 = arith.constant 14 : i32
      %add3A_230 = arith.addi %mul3A_59, %add3A_229 : i32
      %dma_start3A_231 = arith.constant 0 : i32
      %dma_start3A_232 = tpu.memref_slice %arg6[%add3A_230, %dma_start3A_231] : memref<512x64xf32, #tpu.memory_space<vmem>> -> memref<1x64xf32, #tpu.memory_space<vmem>>
      %dma_start3A_233 = arith.constant 0 : i32
      %dma_start3A_234 = tpu.memref_slice %arg3[%squeeze3A_228, %dma_start3A_233] : memref<1000000x64xf32, #tpu.memory_space<hbm>> -> memref<1x64xf32, #tpu.memory_space<hbm>>
      %dma_start3A_235 = arith.constant 0 : i32
      %dma_start3A_236 = tpu.memref_slice %arg6[%add3A_230, %dma_start3A_235] : memref<512x64xf32, #tpu.memory_space<vmem>> -> memref<1x64xf32, #tpu.memory_space<vmem>>
      %dma_start3A_237 = arith.constant 0 : i32
      %dma_start3A_238 = tpu.memref_slice %arg3[%squeeze3A_228, %dma_start3A_237] : memref<1000000x64xf32, #tpu.memory_space<hbm>> -> memref<1x64xf32, #tpu.memory_space<hbm>>
      tpu.enqueue_dma source(%dma_start3A_238 : memref<1x64xf32, #tpu.memory_space<hbm>>) target(%dma_start3A_236 : memref<1x64xf32, #tpu.memory_space<vmem>>) target_semaphore(%arg7 : memref<!tpu.dma_semaphore, #tpu.memory_space<semaphore_mem>>)
      %slice3A_239 = vector.extract_strided_slice %get3A_61 {offsets = [15], sizes = [1], strides = [1]} : vector<16xi32> to vector<1xi32>
      %squeeze3A_240 = vector.extract %slice3A_239[0] : i32 from vector<1xi32>
      %add3A_241 = arith.constant 15 : i32
      %add3A_242 = arith.addi %mul3A_59, %add3A_241 : i32
      %dma_start3A_243 = arith.constant 0 : i32
      %dma_start3A_244 = tpu.memref_slice %arg6[%add3A_242, %dma_start3A_243] : memref<512x64xf32, #tpu.memory_space<vmem>> -> memref<1x64xf32, #tpu.memory_space<vmem>>
      %dma_start3A_245 = arith.constant 0 : i32
      %dma_start3A_246 = tpu.memref_slice %arg3[%squeeze3A_240, %dma_start3A_245] : memref<1000000x64xf32, #tpu.memory_space<hbm>> -> memref<1x64xf32, #tpu.memory_space<hbm>>
      %dma_start3A_247 = arith.constant 0 : i32
      %dma_start3A_248 = tpu.memref_slice %arg6[%add3A_242, %dma_start3A_247] : memref<512x64xf32, #tpu.memory_space<vmem>> -> memref<1x64xf32, #tpu.memory_space<vmem>>
      %dma_start3A_249 = arith.constant 0 : i32
      %dma_start3A_250 = tpu.memref_slice %arg3[%squeeze3A_240, %dma_start3A_249] : memref<1000000x64xf32, #tpu.memory_space<hbm>> -> memref<1x64xf32, #tpu.memory_space<hbm>>
      tpu.enqueue_dma source(%dma_start3A_250 : memref<1x64xf32, #tpu.memory_space<hbm>>) target(%dma_start3A_248 : memref<1x64xf32, #tpu.memory_space<vmem>>) target_semaphore(%arg7 : memref<!tpu.dma_semaphore, #tpu.memory_space<semaphore_mem>>)
      %ge3A = arith.constant 4 : i32
      %ge3A_251 = arith.cmpi sge, %scan3A_57, %ge3A : i32
      %convert_element_type3A = arith.extui %ge3A_251 : i1 to i32
      %cond3A = arith.constant 0 : i32
      %cond3A_252 = arith.cmpi ne, %convert_element_type3A, %cond3A : i32
      scf.if %cond3A_252 {
        %dma_wait3A_253 = arith.constant 0 : i32
        %dma_wait3A_254 = arith.constant 0 : i32
        %dma_wait3A_255 = tpu.memref_slice %arg6[%dma_wait3A_253, %dma_wait3A_254] : memref<512x64xf32, #tpu.memory_space<vmem>> -> memref<16x64xf32, #tpu.memory_space<vmem>>
        %dma_wait3A_256 = arith.constant 0 : i32
        %dma_wait3A_257 = arith.constant 0 : i32
        %dma_wait3A_258 = tpu.memref_slice %arg3[%dma_wait3A_256, %dma_wait3A_257] : memref<1000000x64xf32, #tpu.memory_space<hbm>> -> memref<16x64xf32, #tpu.memory_space<hbm>>
        %dma_wait3A_259 = arith.constant 0 : i32
        %dma_wait3A_260 = arith.constant 0 : i32
        %dma_wait3A_261 = tpu.memref_slice %arg6[%dma_wait3A_259, %dma_wait3A_260] : memref<512x64xf32, #tpu.memory_space<vmem>> -> memref<16x64xf32, #tpu.memory_space<vmem>>
        %dma_wait3A_262 = arith.constant 0 : i32
        %dma_wait3A_263 = arith.constant 0 : i32
        %dma_wait3A_264 = tpu.memref_slice %arg3[%dma_wait3A_262, %dma_wait3A_263] : memref<1000000x64xf32, #tpu.memory_space<hbm>> -> memref<16x64xf32, #tpu.memory_space<hbm>>
        tpu.wait_dma2 semaphore(%arg7 : memref<!tpu.dma_semaphore, #tpu.memory_space<semaphore_mem>>) src(%dma_wait3A_264 : memref<16x64xf32, #tpu.memory_space<hbm>>) dst(%dma_wait3A_261 : memref<16x64xf32, #tpu.memory_space<vmem>>)
      } else {
      }
    }
    %scan3A_7 = arith.constant 32 : i32
    %dma_wait3A = arith.constant 0 : i32
    %dma_wait3A_8 = arith.constant 0 : i32
    %dma_wait3A_9 = tpu.memref_slice %arg6[%dma_wait3A, %dma_wait3A_8] : memref<512x64xf32, #tpu.memory_space<vmem>> -> memref<16x64xf32, #tpu.memory_space<vmem>>
    %dma_wait3A_10 = arith.constant 0 : i32
    %dma_wait3A_11 = arith.constant 0 : i32
    %dma_wait3A_12 = tpu.memref_slice %arg3[%dma_wait3A_10, %dma_wait3A_11] : memref<1000000x64xf32, #tpu.memory_space<hbm>> -> memref<16x64xf32, #tpu.memory_space<hbm>>
    %dma_wait3A_13 = arith.constant 0 : i32
    %dma_wait3A_14 = arith.constant 0 : i32
    %dma_wait3A_15 = tpu.memref_slice %arg6[%dma_wait3A_13, %dma_wait3A_14] : memref<512x64xf32, #tpu.memory_space<vmem>> -> memref<16x64xf32, #tpu.memory_space<vmem>>
    %dma_wait3A_16 = arith.constant 0 : i32
    %dma_wait3A_17 = arith.constant 0 : i32
    %dma_wait3A_18 = tpu.memref_slice %arg3[%dma_wait3A_16, %dma_wait3A_17] : memref<1000000x64xf32, #tpu.memory_space<hbm>> -> memref<16x64xf32, #tpu.memory_space<hbm>>
    tpu.wait_dma2 semaphore(%arg7 : memref<!tpu.dma_semaphore, #tpu.memory_space<semaphore_mem>>) src(%dma_wait3A_18 : memref<16x64xf32, #tpu.memory_space<hbm>>) dst(%dma_wait3A_15 : memref<16x64xf32, #tpu.memory_space<vmem>>)
    %dma_wait3A_19 = arith.constant 0 : i32
    %dma_wait3A_20 = arith.constant 0 : i32
    %dma_wait3A_21 = tpu.memref_slice %arg6[%dma_wait3A_19, %dma_wait3A_20] : memref<512x64xf32, #tpu.memory_space<vmem>> -> memref<16x64xf32, #tpu.memory_space<vmem>>
    %dma_wait3A_22 = arith.constant 0 : i32
    %dma_wait3A_23 = arith.constant 0 : i32
    %dma_wait3A_24 = tpu.memref_slice %arg3[%dma_wait3A_22, %dma_wait3A_23] : memref<1000000x64xf32, #tpu.memory_space<hbm>> -> memref<16x64xf32, #tpu.memory_space<hbm>>
    %dma_wait3A_25 = arith.constant 0 : i32
    %dma_wait3A_26 = arith.constant 0 : i32
    %dma_wait3A_27 = tpu.memref_slice %arg6[%dma_wait3A_25, %dma_wait3A_26] : memref<512x64xf32, #tpu.memory_space<vmem>> -> memref<16x64xf32, #tpu.memory_space<vmem>>
    %dma_wait3A_28 = arith.constant 0 : i32
    %dma_wait3A_29 = arith.constant 0 : i32
    %dma_wait3A_30 = tpu.memref_slice %arg3[%dma_wait3A_28, %dma_wait3A_29] : memref<1000000x64xf32, #tpu.memory_space<hbm>> -> memref<16x64xf32, #tpu.memory_space<hbm>>
    tpu.wait_dma2 semaphore(%arg7 : memref<!tpu.dma_semaphore, #tpu.memory_space<semaphore_mem>>) src(%dma_wait3A_30 : memref<16x64xf32, #tpu.memory_space<hbm>>) dst(%dma_wait3A_27 : memref<16x64xf32, #tpu.memory_space<vmem>>)
    %dma_wait3A_31 = arith.constant 0 : i32
    %dma_wait3A_32 = arith.constant 0 : i32
    %dma_wait3A_33 = tpu.memref_slice %arg6[%dma_wait3A_31, %dma_wait3A_32] : memref<512x64xf32, #tpu.memory_space<vmem>> -> memref<16x64xf32, #tpu.memory_space<vmem>>
    %dma_wait3A_34 = arith.constant 0 : i32
    %dma_wait3A_35 = arith.constant 0 : i32
    %dma_wait3A_36 = tpu.memref_slice %arg3[%dma_wait3A_34, %dma_wait3A_35] : memref<1000000x64xf32, #tpu.memory_space<hbm>> -> memref<16x64xf32, #tpu.memory_space<hbm>>
    %dma_wait3A_37 = arith.constant 0 : i32
    %dma_wait3A_38 = arith.constant 0 : i32
    %dma_wait3A_39 = tpu.memref_slice %arg6[%dma_wait3A_37, %dma_wait3A_38] : memref<512x64xf32, #tpu.memory_space<vmem>> -> memref<16x64xf32, #tpu.memory_space<vmem>>
    %dma_wait3A_40 = arith.constant 0 : i32
    %dma_wait3A_41 = arith.constant 0 : i32
    %dma_wait3A_42 = tpu.memref_slice %arg3[%dma_wait3A_40, %dma_wait3A_41] : memref<1000000x64xf32, #tpu.memory_space<hbm>> -> memref<16x64xf32, #tpu.memory_space<hbm>>
    tpu.wait_dma2 semaphore(%arg7 : memref<!tpu.dma_semaphore, #tpu.memory_space<semaphore_mem>>) src(%dma_wait3A_42 : memref<16x64xf32, #tpu.memory_space<hbm>>) dst(%dma_wait3A_39 : memref<16x64xf32, #tpu.memory_space<vmem>>)
    %dma_wait3A_43 = arith.constant 0 : i32
    %dma_wait3A_44 = arith.constant 0 : i32
    %dma_wait3A_45 = tpu.memref_slice %arg6[%dma_wait3A_43, %dma_wait3A_44] : memref<512x64xf32, #tpu.memory_space<vmem>> -> memref<16x64xf32, #tpu.memory_space<vmem>>
    %dma_wait3A_46 = arith.constant 0 : i32
    %dma_wait3A_47 = arith.constant 0 : i32
    %dma_wait3A_48 = tpu.memref_slice %arg3[%dma_wait3A_46, %dma_wait3A_47] : memref<1000000x64xf32, #tpu.memory_space<hbm>> -> memref<16x64xf32, #tpu.memory_space<hbm>>
    %dma_wait3A_49 = arith.constant 0 : i32
    %dma_wait3A_50 = arith.constant 0 : i32
    %dma_wait3A_51 = tpu.memref_slice %arg6[%dma_wait3A_49, %dma_wait3A_50] : memref<512x64xf32, #tpu.memory_space<vmem>> -> memref<16x64xf32, #tpu.memory_space<vmem>>
    %dma_wait3A_52 = arith.constant 0 : i32
    %dma_wait3A_53 = arith.constant 0 : i32
    %dma_wait3A_54 = tpu.memref_slice %arg3[%dma_wait3A_52, %dma_wait3A_53] : memref<1000000x64xf32, #tpu.memory_space<hbm>> -> memref<16x64xf32, #tpu.memory_space<hbm>>
    tpu.wait_dma2 semaphore(%arg7 : memref<!tpu.dma_semaphore, #tpu.memory_space<semaphore_mem>>) src(%dma_wait3A_54 : memref<16x64xf32, #tpu.memory_space<hbm>>) dst(%dma_wait3A_51 : memref<16x64xf32, #tpu.memory_space<vmem>>)
    %mul3A_55 = arith.constant 512 : i32
    %mul3A_56 = arith.muli %add3A, %mul3A_55 : i32
    "tpu.region"() ({
      %run_scoped3A = tpu.sem_alloc : memref<!tpu.dma_semaphore, #tpu.memory_space<semaphore_mem>>
      %dma_start3A = arith.constant 0 : i32
      %dma_start3A_57 = tpu.memref_slice %arg4[%mul3A_56, %dma_start3A] : memref<16384x64xf32, #tpu.memory_space<hbm>> -> memref<512x64xf32, #tpu.memory_space<hbm>>
      %dma_start3A_58 = arith.constant 0 : i32
      %dma_start3A_59 = tpu.memref_slice %arg4[%mul3A_56, %dma_start3A_58] : memref<16384x64xf32, #tpu.memory_space<hbm>> -> memref<512x64xf32, #tpu.memory_space<hbm>>
      tpu.enqueue_dma source(%arg6 : memref<512x64xf32, #tpu.memory_space<vmem>>) target(%dma_start3A_59 : memref<512x64xf32, #tpu.memory_space<hbm>>) target_semaphore(%run_scoped3A : memref<!tpu.dma_semaphore, #tpu.memory_space<semaphore_mem>>)
      %dma_wait3A_60 = arith.constant 0 : i32
      %dma_wait3A_61 = tpu.memref_slice %arg4[%mul3A_56, %dma_wait3A_60] : memref<16384x64xf32, #tpu.memory_space<hbm>> -> memref<512x64xf32, #tpu.memory_space<hbm>>
      %dma_wait3A_62 = arith.constant 0 : i32
      %dma_wait3A_63 = tpu.memref_slice %arg4[%mul3A_56, %dma_wait3A_62] : memref<16384x64xf32, #tpu.memory_space<hbm>> -> memref<512x64xf32, #tpu.memory_space<hbm>>
      tpu.wait_dma2 semaphore(%run_scoped3A : memref<!tpu.dma_semaphore, #tpu.memory_space<semaphore_mem>>) src(%arg6 : memref<512x64xf32, #tpu.memory_space<vmem>>) dst(%dma_wait3A_63 : memref<512x64xf32, #tpu.memory_space<hbm>>)
      tpu.yield
    }) : () -> ()
    return
  }
}

module attributes {stable_mosaic.version = 14 : i64} {
  func.func @_mm_body(%arg0: i32, %arg1: memref<512x1536xf32, #tpu.memory_space<vmem>>, %arg2: memref<64x1536xf32, #tpu.memory_space<vmem>>, %arg3: memref<1x64xf32, #tpu.memory_space<vmem>>, %arg4: memref<512x64xf32, #tpu.memory_space<vmem>>) attributes {dimension_semantics = [#tpu.dimension_semantics<arbitrary>], iteration_bounds = array<i64: 32>, scalar_prefetch = 0 : i64, scratch_operands = 0 : i64, tpu.core_type = #tpu.core_type<tc>, window_params = [{transform_indices = @transform_0, window_bounds = array<i64: 512, 1536>}, {pipeline_mode = #tpu.pipeline_mode<synchronous>, transform_indices = @transform_1, window_bounds = array<i64: 64, 1536>}, {pipeline_mode = #tpu.pipeline_mode<synchronous>, transform_indices = @transform_2, window_bounds = array<i64: 1, 64>}, {transform_indices = @transform_3, window_bounds = array<i64: 512, 64>}]} {
    %get3A = arith.constant 0 : index
    %get3A_0 = arith.constant 0 : index
    %get3A_1 = vector.load %arg1[%get3A, %get3A_0] : memref<512x1536xf32, #tpu.memory_space<vmem>>, vector<512x1536xf32>
    %get3A_2 = arith.constant 0 : index
    %get3A_3 = arith.constant 0 : index
    %get3A_4 = vector.load %arg2[%get3A_2, %get3A_3] : memref<64x1536xf32, #tpu.memory_space<vmem>>, vector<64x1536xf32>
    %dot_general3A = arith.constant dense<0.000000e+00> : vector<512x64xf32>
    %dot_general3A_5 = tpu.matmul %get3A_1, %get3A_4, %dot_general3A {dimension_numbers = #tpu.dot_dimension_numbers<[1], [1], [0], [0], [0, 0, 1, 0], [], []>, transpose_lhs_hint = false} : vector<512x1536xf32>, vector<64x1536xf32>, vector<512x64xf32> -> vector<512x64xf32>
    %get3A_6 = arith.constant 0 : index
    %get3A_7 = arith.constant 0 : index
    %get3A_8 = vector.load %arg3[%get3A_6, %get3A_7] : memref<1x64xf32, #tpu.memory_space<vmem>>, vector<1x64xf32>
    %add3A = vector.broadcast %get3A_8 : vector<1x64xf32> to vector<512x64xf32>
    %add3A_9 = arith.addf %dot_general3A_5, %add3A : vector<512x64xf32>
    %swap3A = arith.constant 0 : index
    %swap3A_10 = arith.constant 0 : index
    %swap3A_11 = vector.load %arg4[%swap3A, %swap3A_10] : memref<512x64xf32, #tpu.memory_space<vmem>>, vector<512x64xf32>
    tpu.vector_store %arg4[%swap3A, %swap3A_10], %add3A_9 {strides = array<i32>} : memref<512x64xf32, #tpu.memory_space<vmem>>, vector<512x64xf32>,
    return
  }
  func.func @transform_0(%arg0: i32) -> (i32, i32) {
    %c0_i32 = arith.constant 0 : i32
    %c0_i32_0 = arith.constant 0 : i32
    return %arg0, %c0_i32 : i32, i32
  }
  func.func @transform_1(%arg0: i32) -> (i32, i32) {
    %c0_i32 = arith.constant 0 : i32
    %c0_i32_0 = arith.constant 0 : i32
    %c0_i32_1 = arith.constant 0 : i32
    return %c0_i32, %c0_i32_0 : i32, i32
  }
  func.func @transform_2(%arg0: i32) -> (i32, i32) {
    %c0_i32 = arith.constant 0 : i32
    %c0_i32_0 = arith.constant 0 : i32
    %c0_i32_1 = arith.constant 0 : i32
    return %c0_i32, %c0_i32_0 : i32, i32
  }
  func.func @transform_3(%arg0: i32) -> (i32, i32) {
    %c0_i32 = arith.constant 0 : i32
    %c0_i32_0 = arith.constant 0 : i32
    return %arg0, %c0_i32 : i32, i32
  }
}

</mosaic_0001>

<sc_bundles>
// kernel: kernel.4.cloned.1.call-start
scs
__scs_entry_jumppad:
0x0: {  	(pc) =	sbr.rel $0x88, $3  }
0x1: {  	(tag) =	ssettag $0x0;
	lr =	simm.s32 $0x1  }
0x2: {  	[smem:$0x3F9C] =	sst lr;
	_ =	strace $0xD0000000  }
0x3: {  	_ = 	snop  }
0x4: {  	_ = 	snop  }
0x5: {  	_ = 	snop  }
0x6: {  	_ = 	snop  }
0x7: {  	_ = 	snop  }
__scs_overlays_trampoline_lowered:
0x8: {  	[smem:$0x3FAB] =	sst s0  }
0x9: {  	[smem:$0x3FAC] =	sst s1  }
0xa: {  	[smem:$0x3FAD] =	sst s2  }
0xb: {  	[smem:$0x3FAE] =	sst s3  }
0xc: {  	[smem:$0x3FAF] =	sst s4  }
0xd: {  	[smem:$0x3FB0] =	sst s5  }
0xe: {  	[smem:$0x3FB1] =	sst s6  }
0xf: {  	[smem:$0x3FB2] =	sst s7  }
0x10: {  	[smem:$0x3FB3] =	sst s8  }
0x11: {  	[smem:$0x3FB4] =	sst s9;
	s0 =	simm.s32 @!p0 $0x0  }
0x12: {  	s1 =	sld [smem:$0x3F9A];
	s0 =	simm.s32 @p0 $0x1  }
0x13: {  	[smem:$0x3FB5] =	sst s0;
	s0 =	simm.s32 @!p1 $0x0  }
0x14: {  	s2 =	sld [smem:$0x3F99];
	s0 =	simm.s32 @p1 $0x1  }
0x15: {  	[smem:$0x3FB6] =	sst s0;
	s0 =	simm.s32 @!p2 $0x0  }
0x16: {  	s3 =	sld [smem:$0x3FDB];
	s0 =	simm.s32 @p2 $0x1  }
0x17: {  	s4 =	simm.s32 $0x1BF5;
	[smem:$0x3FB8] =	sst s0  }
0x18: {  	s0 =	sld [smem:$0x3F9B];
	_ =	swait.ge [sflag:s4], $0x0  }
0x19: {  	s7 =	sld [smem:$0x3F9C]  }
0x1a: {  	s8 =	sadd.s32 $0xFFFFE003, lr  }
0x1b: {  	s9 =	sadd.s32 $0xFFFFFEF7, lr;
	s5 =	simm.s32 $0xFFFFFFFF;
	p2 =	slt.u32 s8, $0xFFFFF086  }
0x1c: {  	p1 =	slt.u32 s9, $0xF7A;
	s5 =	simm.s32 @!p2 $0x0  }
0x1d: {  	s5 =	simm.s32 @p1 $0x1;
	p0 =	seq.s32 s7, s2  }
0x1e: {  	s7 =	smul.u32 @!p0 $0xF7A, s2;
	p2 =	seq.s32 @!p0 s5, $0x0  }
0x1f: {  	s9 =	smul.u32 $0xF7A, s1;
	s8 =	simm.s32 @!p0 $0x1BF5;
	p2 =	por !p2, p0  }
0x20: {  	[sflag:s8] =	ssyncset.s32 @!p0 $0xFFFFF086;
	s6 =	sadd.s32 @!p0 s3, s7;
	s7 =	simm.s32 @!p0 $0x108  }
0x21: {  	s3 =	sadd.s32 s3, s9;
	s6 =	sadd.s32 @!p0 $0x88, s6;
	s7 =	simm.s32 @p2 $0x1082  }
0x22: {  	[simem:s7], [sflag:s8] =	dma.local @!p0 [hbm:s6], $0xF7A  }
0x23: {  	s9 =	sor.u32 $0xD0000000, s2;
	s6 =	simm.s32 $0x108;
	_ =	swait.ge @!p0 [sflag:s8], $0x0  }
0x24: {  	s3 =	sadd.s32 $0x88, s3;
	s6 =	simm.s32 @!p1 $0x1082;
	[sflag:s4] =	ssyncset.s32 $0xFFFFF086  }
0x25: {  	[simem:s6], [sflag:s4] =	dma.local [hbm:s3], $0xF7A  }
0x26: {  	[smem:$0x3F9C] =	sst s1;
	(tag) =	ssettag s2;
	_ =	strace s9  }
0x27: {  	s1 =	sld [smem:$0x3FAC]  }
0x28: {  	s2 =	sld [smem:$0x3FAD]  }
0x29: {  	s4 =	sld [smem:$0x3FAF]  }
0x2a: {  	p0 =	seq.s32 s5, $0x0;
	s5 =	sld [smem:$0x3FB0]  }
0x2b: {  	s6 =	sld [smem:$0x3FB1]  }
0x2c: {  	s7 =	sld [smem:$0x3FB2]  }
0x2d: {  	s3 =	simm.s32 $0x108;
	s8 =	sld [smem:$0x3FB3]  }
0x2e: {  	s3 =	simm.s32 @!p0 $0x1082;
	s9 =	sld [smem:$0x3FB4]  }
0x2f: {  	lr =	sadd.s32 s0, s3;
	s0 =	sld [smem:$0x3FAB]  }
0x30: {  	s3 =	sld [smem:$0x3FAE]  }
0x31: {  	[smem:$0x3FB7] =	sst s10  }
0x32: {  	s10 =	sld [smem:$0x3FB5];
	_ =	sdelay $0x3  }
0x33: {  	p0 =	seq.s32 s10, $0x1;
	s10 =	sld [smem:$0x3FB7];
	_ =	sdelay $0x3  }
0x34: {  	[smem:$0x3FB7] =	sst s10  }
0x35: {  	s10 =	sld [smem:$0x3FB6];
	_ =	sdelay $0x3  }
0x36: {  	p1 =	seq.s32 s10, $0x1;
	s10 =	sld [smem:$0x3FB7];
	_ =	sdelay $0x3  }
0x37: {  	[smem:$0x3FB7] =	sst s10  }
0x38: {  	s10 =	sld [smem:$0x3FB8]  }
0x39: {  	_ = 	snop;
	(pc) =	sbr.ind lr, $3  }
0x3a: {  	_ = 	snop  }
0x3b: {  	_ = 	snop  }
0x3c: {  	p2 =	seq.s32 s10, $0x1;
	s10 =	sld [smem:$0x3FB7]  }
0x3d: {  	_ =	shalt  }
0x3e: {  	_ =	shalt  }
0x3f: {  	_ =	shalt  }
0x40: {  	_ =	shalt  }
0x41: {  	_ =	shalt  }
0x42: {  	_ =	shalt  }
0x43: {  	_ =	shalt  }
0x44: {  	_ =	shalt  }
0x45: {  	_ =	shalt  }
0x46: {  	_ =	shalt  }
0x47: {  	_ =	shalt  }
0x48: {  	_ =	shalt  }
0x49: {  	_ =	shalt  }
0x4a: {  	_ =	shalt  }
0x4b: {  	_ =	shalt  }
0x4c: {  	_ =	shalt  }
0x4d: {  	_ =	shalt  }
0x4e: {  	_ =	shalt  }
0x4f: {  	_ =	shalt  }
0x50: {  	_ =	shalt  }
0x51: {  	_ =	shalt  }
0x52: {  	_ =	shalt  }
0x53: {  	_ =	shalt  }
0x54: {  	_ =	shalt  }
0x55: {  	_ =	shalt  }
0x56: {  	_ =	shalt  }
0x57: {  	_ =	shalt  }
0x58: {  	_ =	shalt  }
0x59: {  	_ =	shalt  }
0x5a: {  	_ =	shalt  }
0x5b: {  	_ =	shalt  }
0x5c: {  	_ =	shalt  }
0x5d: {  	_ =	shalt  }
0x5e: {  	_ =	shalt  }
0x5f: {  	_ =	shalt  }
0x60: {  	_ =	shalt  }
0x61: {  	_ =	shalt  }
0x62: {  	_ =	shalt  }
0x63: {  	_ =	shalt  }
0x64: {  	_ =	shalt  }
0x65: {  	_ =	shalt  }
0x66: {  	_ =	shalt  }
0x67: {  	_ =	shalt  }
0x68: {  	_ =	shalt  }
0x69: {  	_ =	shalt  }
0x6a: {  	_ =	shalt  }
0x6b: {  	_ =	shalt  }
0x6c: {  	_ =	shalt  }
0x6d: {  	_ =	shalt  }
0x6e: {  	_ =	shalt  }
0x6f: {  	_ =	shalt  }
0x70: {  	_ =	shalt  }
0x71: {  	_ =	shalt  }
0x72: {  	_ =	shalt  }
0x73: {  	_ =	shalt  }
0x74: {  	_ =	shalt  }
0x75: {  	_ =	shalt  }
0x76: {  	_ =	shalt  }
0x77: {  	_ =	shalt  }
0x78: {  	_ =	shalt  }
0x79: {  	_ =	shalt  }
0x7a: {  	_ =	shalt  }
0x7b: {  	_ =	shalt  }
0x7c: {  	_ =	shalt  }
0x7d: {  	_ =	shalt  }
0x7e: {  	_ =	shalt  }
0x7f: {  	_ =	shalt  }
0x80: {  	_ =	shalt  }
0x81: {  	_ =	shalt  }
0x82: {  	_ =	shalt  }
0x83: {  	_ =	shalt  }
0x84: {  	_ =	shalt  }
0x85: {  	_ =	shalt  }
0x86: {  	_ =	shalt  }
0x87: {  	_ =	shalt  }
.Lfunc_end0:
.L_simem_size_0:
called_computation_lowered:
.L_overlay_start_0:
0x88: {  	s2 =	sld [smem:$0x3FD9]  }
0x89: {  	s3 =	sld [smem:$0x3FFE];
	_ =	sdelay $0x1  }
0x8a: {  	s1 =	srdreg.scid  }
0x8b: {  	s0 =	sand.u32 $0x1, s1  }
0x8c: {  	s17 =	sshll.u32 s0, $0xA;
	s2 =	sadd.s32 s3, s2  }
0x8d: {  	s2 =	sadd.s32 s2, s17  }
0x8e: {  	[smem:$0x3FC3] =	sst s2  }
0x8f: {  	_ = 	snop  }
0x90: {  	s2 =	sld [smem:$0x3FC9];
	(tm) =	ssettm $0x1  }
0x91: {  	s18 =	sld [smem:$0x3FFB];
	_ =	sdelay $0x3  }
0x92: {  	_ =	strace s18  }
0x93: {  	s3 =	sld [smem:$0x3FFC];
	_ =	sdelay $0x3  }
0x94: {  	_ =	strace s3  }
0x95: {  	s3 =	sld [smem:$0x3FFD];
	_ =	sdelay $0x3  }
0x96: {  	_ =	strace s3  }
0x97: {  	_ =	strace $0x8FFFFFFF  }
0x98: {  	s19 =	sld [smem:$0x3FDB];
	_ =	sdelay $0x1  }
0x99: {  	s4 =	simm.s32 $_scs_section_size  }
0x9a: {  	s5 =	simm.s32 $_size__tile_overlayer_lowered;
	s6 =	simm.s32 $_tile_overlayer_lowered  }
0x9b: {  	s22 =	simm.s32 $0x1BFF;
	s21 =	sshll.u32 s6, $0x1;
	s3 =	sadd.s32 s4, s19  }
0x9c: {  	s7 =	simm.s32 $0x0;
	s20 =	sshll.u32 s5, $0x1;
	s5 =	sadd.s32 s21, s3  }
0x9d: {  	[timem:s7], [sflag:s22] =	dma.local [hbm:s5], s20  }
0x9e: {  	_ =	swait.ge [sflag:s22], s20  }
0x9f: {  	s4 =	ssub.s32 $0x0, s20;
	[sflag:s22] =	ssyncset.done $0x0  }
0xa0: {  	[sflag:s22] =	ssyncadd.s32 s4;
	_ =	sdelay $0x1  }
0xa1: {  	s23 =	simm.s32 $0x1B8B  }
0xa2: {  	_ =	swait.ge [sflag:s23], $0x1  }
0xa3: {  	[sflag:s23] =	ssyncset.done $0x0  }
0xa4: {  	s25 =	simm.s32 $0x1B8E;
	s24 =	sld [smem:$0x3FFE];
	[sflag:s23] =	ssyncadd.s32 $0xFFFFFFFF  }
0xa5: {  	s26 =	simm.s32 $execute0_lowered;
	[smem:$0x3FD2] =	sst s25  }
0xa6: {  	s5 =	sshll.u32 s26, $0x1;
	_ =	strace $0x80000046;
	[dreg:$0x1] =	wrdreg $0xFFFFFFFF  }
0xa7: {  	s28 =	simm.s32 $_size_execute0_lowered;
	s3 =	sadd.s32 s3, s5;
	[dreg:$0x0] =	wrdreg $0x0  }
0xa8: {  	s5 =	sshll.u32 s28, $0x1;
	[dreg:$0x2] =	wrdreg s3  }
0xa9: {  	[dreg:$0x3] =	wrdreg s5  }
0xaa: {  	[dreg:$0x4] =	wrdreg $0xC0  }
0xab: {  	_ =	task [dreg:s7], $0x5FFFF  }
0xac: {  	[dreg:$0x1] =	wrdreg $0xFFFFFFFF  }
0xad: {  	[dreg:$0x0] =	wrdreg $0x60  }
0xae: {  	[dreg:$0x2] =	wrdreg s2  }
0xaf: {  	[dreg:$0x3] =	wrdreg s24  }
0xb0: {  	[dreg:$0x4] =	wrdreg $0x9  }
0xb1: {  	_ =	task.clear_ibuf [dreg:s7], $0x5FFFF;
	_ =	strace $0x90000046  }
0xb2: {  	s29 =	simm.s32 $0x9;
	_ =	strace $0x80000048  }
0xb3: {  	_ =	swait.ge [sflag:s29], $0x1  }
0xb4: {  	[sflag:s29] =	ssyncadd.s32 $0xFFFFFFFF  }
0xb5: {  	_ =	strace $0x90000048  }
0xb6: {  	_ =	sfence  }
0xb7: {  	s30 =	sld [smem:$0x0];
	_ =	sdelay $0x2  }
0xb8: {  	s31 =	sshll.u32 s1, $0xD;
	s1 =	sshrl.u32 s1, $0x2  }
0xb9: {  	s3 =	sand.u32 $0x4000, s31;
	s1 =	sadd.s32 s1, s30  }
0xba: {  	s0 =	sor.u32 s3, s0;
	s1 =	sshll.u32 s1, $0x11  }
0xbb: {  	s0 =	sor.u32 s1, s0  }
0xbc: {  	s0 =	sadd.s32 $0x8F2B, s0  }
0xbd: {  	[sflag:s0] =	ssyncadd.remote.s32 $0x1  }
0xbe: {  	_ =	sfence.sel $0xFFFF  }
0xbf: {  	[dreg:$0x0] =	wrdreg $0xFFFFFFFF;
	(pc) =	sbr.abs _section_cstart, $3  }
0xc0: {  	[dreg:$0x1] =	wrdreg $0xFFFFFFFF  }
0xc1: {  	_ =	task.clear_ibuf [dreg:s7], $0x2FFFF;
	_ =	strace $0x9FFFFFFF  }
0xc2: {  	(tm) =	ssettm $0x7FFFFFFF  }
0xc3: {  	_ =	shalt  }
tec
execute0_lowered:
.L_overlay_start_1:
0x0: {  	(tag) =	ssettag $0x1  }
0x1: {  	s4 =	rddreg [dreg:$0x0]  }
0x2: {  	s5 =	rddreg [dreg:$0x1]  }
0x3: {  	s2 =	simm.s32 $0x0;
	s3 =	srdreg.scid;
	s0 =	stileid.u32  }
0x4: {  	s10 =	simm.s32 $0x0;
	[smem:$0x7FF] =	sst s2;
	s6 =	sand.u32 $0x1, s3  }
0x5: {  	s7 =	sshll.u32 s0, $0xA;
	s3 =	sadd.s32 $0x800, s5;
	s8 =	sshll.u32 s6, $0x9  }
0x6: {  	_ =	strace $0x80000047;
	s6 =	ssub.s32 $0x2, s6;
	s7 =	sor.u32 s8, s7  }
0x7: {  	s9 =	sshrl.u32 s6, $0x1;
	s8 =	sshll.u32 s7, $0x4;
	s7 =	sshrl.u32 s7, $0x3  }
0x8: {  	s6 =	ssub.s32 s6, s9;
	s5 =	sadd.s32 s8, s5;
	s30 =	sadd.s32 s4, s7  }
0x9: {  	s6 =	smax.u32 s6, $0x1;
	[dreg:$0x3] =	wrdreg s30;
	s31 =	sadd.s32 $0xF42C00, s5  }
0xa: {  	s7 =	simm.s32 $0x2;
	s8 =	simm.s32 $0x1;
	[dreg:$0x4] =	wrdreg s31  }
.LBB2_1:
0xb: {  	s0 =	rddreg [dreg:$0x3]  }
0xc: {  	[tilespmem:s2], [sflag:$0x2] =	stream.linear.gather [hbm4b:s0+s2], $0x200, $0x38;
	[tilespmem:$0x10200] =	vst v63  }
0xd: {  	_ =	swait.ge [sflag:s7], $0x200  }
0xe: {  	[sflag:s7] =	ssyncset.done $0x0  }
0xf: {  	[sflag:s7] =	ssyncadd.s32 $0xFFFFFE00  }
0x10: {  	v0 =	vld [tilespmem:s2+$0x0];
	_ =	sdelay $0x4  }
0x11: {  	v0 =	vshll.u32 v0, $0x4  }
0x12: {  	(v2sf) =	vpush v0, $0x2  }
0x13: {  	(v2sf) =	vpush v0, $0x0  }
0x14: {  	(v2sf) =	vpush v0, $0x1;
	_ =	sdelay $0x2  }
0x15: {  	(v2sf) =	vpush v0, $0x3;
	_ =	sdelay $0x1  }
0x16: {  	(v2sf) =	vpush v0, $0x4;
	_ =	sdelay $0x1  }
0x17: {  	(v2sf) =	vpush v0, $0x5;
	_ =	sdelay $0x1  }
0x18: {  	p0 =	por $0x1, $0x1;
	s12 =	simm.s32 $0x4000;
	(v2sf) =	vpush v0, $0x6  }
0x19: {  	s14 =	simm.s32 $0x280;
	s16 =	simm.s32 $0x200;
	s18 =	simm.s32 $0x480  }
0x1a: {  	s19 =	simm.s32 $0x300;
	s21 =	simm.s32 $0x380;
	s23 =	simm.s32 $0x400  }
0x1b: {  	s25 =	simm.s32 $0x600;
	p2 =	por $0x1, $0x1;
	s29 =	simm.s32 $0x500  }
0x1c: {  	s31 =	simm.s32 $0x700;
	s4 =	simm.s32 $0x580;
	s11 =	spop (v2sf);
	(v2sf) =	vpush v0, $0x7  }
0x1d: {  	s5 =	simm.s32 $0x680;
	p0 =	por p0, p0;
	s13 =	spop (v2sf)  }
0x1e: {  	p1 =	por p0, p0;
	(v2sf) =	vpush v0, $0x8;
	s13 =	sand.u32 $0x1FFFFFF0, s13;
	s15 =	spop (v2sf)  }
0x1f: {  	p0 =	por p2, p2;
	(v2sf) =	vpush v0, $0x9;
	s13 =	sadd.s32 s3, s13;
	s15 =	sand.u32 $0x1FFFFFF0, s15  }
0x20: {  	[tilespmem:s16], [sflag:$0x1] =	stream.linear.gather [hbm4b:s13+s2], $0x80, $0x38;
	[tilespmem:$0x10200] =	vst v63  }
0x21: {  	s11 =	sand.u32 $0x1FFFFFF0, s11;
	s20 =	spop (v2sf);
	(v2sf) =	vpush v0, $0xA;
	s15 =	sadd.s32 s3, s15  }
0x22: {  	[tilespmem:s14], [sflag:$0x1] =	stream.linear.gather [hbm4b:s15+s2], $0x80, $0x38;
	[tilespmem:$0x10200] =	vst v63  }
0x23: {  	s11 =	sadd.s32 s3, s11;
	s17 =	spop (v2sf);
	(v2sf) =	vpush v0, $0xB;
	s15 =	sand.u32 $0x1FFFFFF0, s20  }
0x24: {  	[tilespmem:s19], [sflag:$0x1] =	stream.linear.gather [hbm4b:s11+s2], $0x80, $0x38;
	[tilespmem:$0x10200] =	vst v63  }
0x25: {  	s22 =	sand.u32 $0x1FFFFFF0, s17;
	s24 =	spop (v2sf);
	(v2sf) =	vpush v0, $0xC;
	s15 =	sadd.s32 s3, s15  }
0x26: {  	[tilespmem:s21], [sflag:$0x1] =	stream.linear.gather [hbm4b:s15+s2], $0x80, $0x38;
	[tilespmem:$0x10200] =	vst v63  }
0x27: {  	s14 =	sadd.s32 s3, s22;
	s26 =	sand.u32 $0x1FFFFFF0, s24;
	s28 =	spop (v2sf);
	(v2sf) =	vpush v0, $0xD  }
0x28: {  	[tilespmem:s23], [sflag:$0x1] =	stream.linear.gather [hbm4b:s14+s2], $0x80, $0x38;
	[tilespmem:$0x10200] =	vst v63  }
0x29: {  	s13 =	simm.s32 $0x980;
	s15 =	sand.u32 $0x1FFFFFF0, s28;
	s14 =	sadd.s32 s3, s26  }
0x2a: {  	[tilespmem:s18], [sflag:$0x1] =	stream.linear.gather [hbm4b:s14+s2], $0x80, $0x38;
	[tilespmem:$0x10200] =	vst v63  }
0x2b: {  	s17 =	simm.s32 @!p1 $0x1;
	(v2sf) =	vpush v0, $0xE;
	s15 =	sadd.s32 s3, s15;
	s30 =	spop (v2sf)  }
0x2c: {  	[tilespmem:s29], [sflag:$0x1] =	stream.linear.gather [hbm4b:s15+s2], $0x80, $0x38;
	[tilespmem:$0x10200] =	vst v63  }
0x2d: {  	s22 =	simm.s32 $0x780;
	(v2sf) =	vpush v0, $0xF;
	s0 =	sand.u32 $0x1FFFFFF0, s30;
	s1 =	spop (v2sf)  }
0x2e: {  	s16 =	sand.u32 $0x1FFFFFF0, s1;
	s15 =	sadd.s32 s3, s0;
	s9 =	spop (v2sf)  }
0x2f: {  	[tilespmem:s4], [sflag:$0x1] =	stream.linear.gather [hbm4b:s15+s2], $0x80, $0x38;
	[tilespmem:$0x10200] =	vst v63  }
0x30: {  	s16 =	sadd.s32 s3, s16;
	s18 =	sand.u32 $0x1FFFFFF0, s9;
	s19 =	spop (v2sf)  }
0x31: {  	[tilespmem:s25], [sflag:$0x1] =	stream.linear.gather [hbm4b:s16+s2], $0x80, $0x38;
	[tilespmem:$0x10200] =	vst v63  }
0x32: {  	s11 =	sadd.s32 s3, s18;
	s21 =	spop (v2sf);
	s16 =	sand.u32 $0x1FFFFFF0, s19  }
0x33: {  	[tilespmem:s5], [sflag:$0x1] =	stream.linear.gather [hbm4b:s11+s2], $0x80, $0x38;
	[tilespmem:$0x10200] =	vst v63  }
0x34: {  	s15 =	sand.u32 $0x1FFFFFF0, s21;
	s23 =	spop (v2sf);
	s16 =	sadd.s32 s3, s16  }
0x35: {  	[tilespmem:s31], [sflag:$0x1] =	stream.linear.gather [hbm4b:s16+s2], $0x80, $0x38;
	[tilespmem:$0x10200] =	vst v63  }
0x36: {  	s24 =	spop (v2sf);
	s15 =	sadd.s32 s3, s15;
	s16 =	sand.u32 $0x1FFFFFF0, s23  }
0x37: {  	[tilespmem:s22], [sflag:$0x1] =	stream.linear.gather [hbm4b:s15+s2], $0x80, $0x38;
	[tilespmem:$0x10200] =	vst v63  }
0x38: {  	s20 =	simm.s32 $0x800;
	s25 =	sand.u32 $0x1FFFFFF0, s24;
	s16 =	sadd.s32 s3, s16  }
0x39: {  	[tilespmem:s20], [sflag:$0x1] =	stream.linear.gather [hbm4b:s16+s2], $0x80, $0x38;
	[tilespmem:$0x10200] =	vst v63  }
0x3a: {  	s29 =	simm.s32 $0x880;
	s26 =	spop (v2sf);
	s14 =	sadd.s32 s3, s25  }
0x3b: {  	[tilespmem:s29], [sflag:$0x1] =	stream.linear.gather [hbm4b:s14+s2], $0x80, $0x38;
	[tilespmem:$0x10200] =	vst v63  }
0x3c: {  	s30 =	simm.s32 $0x900;
	s28 =	sand.u32 $0x1FFFFFF0, s26;
	s31 =	spop (v2sf)  }
0x3d: {  	s11 =	sadd.s32 s3, s28;
	s15 =	simm.s32 $0x2;
	s16 =	sand.u32 $0x1FFFFFF0, s31  }
0x3e: {  	[tilespmem:s30], [sflag:$0x1] =	stream.linear.gather [hbm4b:s11+s2], $0x80, $0x38;
	[tilespmem:$0x10200] =	vst v63  }
0x3f: {  	s14 =	simm.s32 $0x10;
	s11 =	simm.s32 $0x800;
	s18 =	sadd.s32 s3, s16  }
.LBB2_2:
0x40: {  	s28 =	sadd.s32 $0x280, s11  }
0x41: {  	s23 =	sadd.s32 $0x980, s11;
	s16 =	smov.u32 s12;
	s12 =	sadd.s32 $0x2000, s12  }
0x42: {  	[tilespmem:s13], [sflag:$0x1] =	stream.linear.gather [hbm4b:s18+s2], $0x80, $0x38;
	[tilespmem:$0x10200] =	vst v63  }
0x43: {  	s21 =	sadd.s32 $0x480, s11;
	s18 =	sadd.s32 $0x600, s11;
	_ =	swait.ge @!p1 [sflag:s17], $0x800  }
0x44: {  	s31 =	sadd.s32 $0x200, s11;
	s25 =	sadd.s32 $0x400, s11;
	[sflag:s17] =	ssyncset.done @!p1 $0x0  }
0x45: {  	p3 =	slt.u32 s15, $0x4;
	s22 =	sadd.s32 $0x500, s11;
	[sflag:s17] =	ssyncadd.s32 @!p1 $0xFFFFF800  }
0x46: {  	s29 =	sadd.s32 $0x300, s11;
	s19 =	sadd.s32 $0x700, s11;
	p2 =	sne.s32 s12, $0x40000;
	v0 =	vld [tilespmem:s14+$0x0]  }
0x47: {  	s20 =	sadd.s32 $0x680, s11;
	s13 =	smov.u32 s23;
	p1 =	por p0, p0  }
0x48: {  	p0 =	por p3, p3;
	_ =	sdelay $0x1  }
0x49: {  	s30 =	sadd.s32 $0x380, s11  }
0x4a: {  	v0 =	vshll.u32 v0, $0x4  }
0x4b: {  	(v2sf) =	vpush v0, $0x2  }
0x4c: {  	(v2sf) =	vpush v0, $0x0  }
0x4d: {  	(v2sf) =	vpush v0, $0x1  }
0x4e: {  	(v2sf) =	vpush v0, $0x3;
	_ =	sdelay $0x1  }
0x4f: {  	(v2sf) =	vpush v0, $0x4;
	_ =	sdelay $0x1  }
0x50: {  	(v2sf) =	vpush v0, $0x5;
	_ =	sdelay $0x1  }
0x51: {  	(v2sf) =	vpush v0, $0x6;
	_ =	sdelay $0x1  }
0x52: {  	(v2sf) =	vpush v0, $0x7;
	_ =	sdelay $0x1  }
0x53: {  	s23 =	sadd.s32 $0x800, s11;
	(v2sf) =	vpush v0, $0x8  }
0x54: {  	s26 =	sadd.s32 $0x780, s11;
	s14 =	sadd.s32 $0x10, s14  }
0x55: {  	s15 =	sadd.s32 $0x1, s15;
	s17 =	simm.s32 @!p1 $0x1;
	s24 =	spop (v2sf);
	(v2sf) =	vpush v0, $0x9  }
0x56: {  	s0 =	sand.u32 $0x1FFFFFF0, s24;
	s24 =	sadd.s32 $0x900, s11;
	s1 =	spop (v2sf)  }
0x57: {  	s9 =	sadd.s32 $0x580, s11;
	s1 =	sand.u32 $0x1FFFFFF0, s1;
	s4 =	spop (v2sf);
	(v2sf) =	vpush v0, $0xA  }
0x58: {  	s1 =	sadd.s32 s3, s1;
	s4 =	sand.u32 $0x1FFFFFF0, s4;
	s5 =	spop (v2sf)  }
0x59: {  	[tilespmem:s31], [sflag:$0x1] =	stream.linear.gather [hbm4b:s1+s2], $0x80, $0x38;
	(v2sf) =	vpush v0, $0xB;
	[tilespmem:$0x10200] =	vst v63  }
0x5a: {  	s1 =	sadd.s32 s3, s4;
	s4 =	sand.u32 $0x1FFFFFF0, s5;
	s5 =	spop (v2sf)  }
0x5b: {  	[tilespmem:s28], [sflag:$0x1] =	stream.linear.gather [hbm4b:s1+s2], $0x80, $0x38;
	(v2sf) =	vpush v0, $0xC;
	[tilespmem:$0x10200] =	vst v63  }
0x5c: {  	s0 =	sadd.s32 s3, s0;
	s1 =	sand.u32 $0x1FFFFFF0, s5;
	s5 =	spop (v2sf)  }
0x5d: {  	[tilespmem:s29], [sflag:$0x1] =	stream.linear.gather [hbm4b:s0+s2], $0x80, $0x38;
	(v2sf) =	vpush v0, $0xD;
	[tilespmem:$0x10200] =	vst v63  }
0x5e: {  	s0 =	sadd.s32 s3, s4;
	s4 =	sand.u32 $0x1FFFFFF0, s5;
	s5 =	spop (v2sf)  }
0x5f: {  	[tilespmem:s30], [sflag:$0x1] =	stream.linear.gather [hbm4b:s0+s2], $0x80, $0x38;
	(v2sf) =	vpush v0, $0xE;
	[tilespmem:$0x10200] =	vst v63  }
0x60: {  	s0 =	sadd.s32 s3, s1;
	s1 =	sand.u32 $0x1FFFFFF0, s5;
	s5 =	spop (v2sf)  }
0x61: {  	[tilespmem:s25], [sflag:$0x1] =	stream.linear.gather [hbm4b:s0+s2], $0x80, $0x38;
	(v2sf) =	vpush v0, $0xF;
	[tilespmem:$0x10200] =	vst v63  }
0x62: {  	s0 =	sadd.s32 s3, s4;
	s4 =	sand.u32 $0x1FFFFFF0, s5;
	s5 =	spop (v2sf)  }
0x63: {  	[tilespmem:s21], [sflag:$0x1] =	stream.linear.gather [hbm4b:s0+s2], $0x80, $0x38;
	[tilespmem:$0x10200] =	vst v63  }
0x64: {  	s0 =	sadd.s32 s3, s1;
	s1 =	sand.u32 $0x1FFFFFF0, s5;
	s5 =	spop (v2sf)  }
0x65: {  	[tilespmem:s22], [sflag:$0x1] =	stream.linear.gather [hbm4b:s0+s2], $0x80, $0x38;
	[tilespmem:$0x10200] =	vst v63  }
0x66: {  	s0 =	sadd.s32 s3, s4;
	s4 =	sand.u32 $0x1FFFFFF0, s5;
	s5 =	spop (v2sf)  }
0x67: {  	[tilespmem:s9], [sflag:$0x1] =	stream.linear.gather [hbm4b:s0+s2], $0x80, $0x38;
	[tilespmem:$0x10200] =	vst v63  }
0x68: {  	s0 =	sadd.s32 s3, s1;
	s1 =	sand.u32 $0x1FFFFFF0, s5;
	s5 =	spop (v2sf)  }
0x69: {  	[tilespmem:s18], [sflag:$0x1] =	stream.linear.gather [hbm4b:s0+s2], $0x80, $0x38;
	[tilespmem:$0x10200] =	vst v63  }
0x6a: {  	s0 =	sadd.s32 s3, s4;
	s4 =	sand.u32 $0x1FFFFFF0, s5;
	s5 =	spop (v2sf)  }
0x6b: {  	[tilespmem:s20], [sflag:$0x1] =	stream.linear.gather [hbm4b:s0+s2], $0x80, $0x38;
	[tilespmem:$0x10200] =	vst v63  }
0x6c: {  	s0 =	sadd.s32 s3, s1;
	s1 =	sand.u32 $0x1FFFFFF0, s5;
	s5 =	spop (v2sf)  }
0x6d: {  	[tilespmem:s19], [sflag:$0x1] =	stream.linear.gather [hbm4b:s0+s2], $0x80, $0x38;
	[tilespmem:$0x10200] =	vst v63  }
0x6e: {  	s0 =	sadd.s32 s3, s4;
	s4 =	sand.u32 $0x1FFFFFF0, s5;
	s5 =	spop (v2sf)  }
0x6f: {  	[tilespmem:s26], [sflag:$0x1] =	stream.linear.gather [hbm4b:s0+s2], $0x80, $0x38;
	[tilespmem:$0x10200] =	vst v63  }
0x70: {  	s0 =	sadd.s32 s3, s1;
	s1 =	sand.u32 $0x1FFFFFF0, s5;
	s5 =	spop (v2sf)  }
0x71: {  	[tilespmem:s23], [sflag:$0x1] =	stream.linear.gather [hbm4b:s0+s2], $0x80, $0x38;
	[tilespmem:$0x10200] =	vst v63  }
.Ltmp0:
0x72: {  	_ = 	snop;
	(pc) =	sbr.rel @p2 .LBB2_2-.Ltmp0, $4  }
0x73: {  	s4 =	sadd.s32 s3, s4;
	s0 =	sadd.s32 $0x880, s11;
	s5 =	sand.u32 $0x1FFFFFF0, s5  }
0x74: {  	[tilespmem:s0], [sflag:$0x1] =	stream.linear.gather [hbm4b:s4+s2], $0x80, $0x38;
	[tilespmem:$0x10200] =	vst v63  }
0x75: {  	s11 =	sshra.s32 s16, $0x2;
	s18 =	sadd.s32 s3, s5;
	s0 =	sadd.s32 s3, s1  }
0x76: {  	[tilespmem:s24], [sflag:$0x1] =	stream.linear.gather [hbm4b:s0+s2], $0x80, $0x38;
	[tilespmem:$0x10200] =	vst v63  }
0x77: {  	[tilespmem:s13], [sflag:$0x1] =	stream.linear.gather [hbm4b:s18+s2], $0x80, $0x38;
	[tilespmem:$0x10200] =	vst v63  }
0x78: {  	_ =	swait.ge @!p1 [sflag:s17], $0x800  }
0x79: {  	[sflag:s17] =	ssyncset.done @!p1 $0x0  }
0x7a: {  	[sflag:s17] =	ssyncadd.s32 @!p1 $0xFFFFF800  }
0x7b: {  	v0 =	vld [tilespmem:s14+$0x0];
	_ =	sdelay $0x4  }
0x7c: {  	v0 =	vshll.u32 v0, $0x4  }
0x7d: {  	(v2sf) =	vpush v0, $0x2;
	_ =	sdelay $0x1  }
0x7e: {  	(v2sf) =	vpush v0, $0x0;
	_ =	sdelay $0x1  }
0x7f: {  	(v2sf) =	vpush v0, $0x1;
	_ =	sdelay $0x2  }
0x80: {  	(v2sf) =	vpush v0, $0x3;
	_ =	sdelay $0x7  }
0x81: {  	s0 =	spop (v2sf);
	(v2sf) =	vpush v0, $0x4;
	_ =	sdelay $0x1  }
0x82: {  	s1 =	spop (v2sf);
	(v2sf) =	vpush v0, $0x5;
	_ =	sdelay $0x1  }
0x83: {  	s22 =	spop (v2sf);
	(v2sf) =	vpush v0, $0x6;
	_ =	sdelay $0x2  }
0x84: {  	s1 =	sand.u32 $0x1FFFFFF0, s1;
	s25 =	spop (v2sf);
	(v2sf) =	vpush v0, $0x7  }
0x85: {  	s4 =	sadd.s32 $0x200, s11;
	s1 =	sadd.s32 s3, s1  }
0x86: {  	[tilespmem:s4], [sflag:$0x1] =	stream.linear.gather [hbm4b:s1+s2], $0x80, $0x38;
	[tilespmem:$0x10200] =	vst v63  }
0x87: {  	s1 =	sand.u32 $0x1FFFFFF0, s22  }
0x88: {  	s23 =	sadd.s32 $0x280, s11;
	s0 =	sand.u32 $0x1FFFFFF0, s0;
	s1 =	sadd.s32 s3, s1  }
0x89: {  	[tilespmem:s23], [sflag:$0x1] =	stream.linear.gather [hbm4b:s1+s2], $0x80, $0x38;
	[tilespmem:$0x10200] =	vst v63  }
0x8a: {  	s24 =	sadd.s32 $0x300, s11;
	s0 =	sadd.s32 s3, s0  }
0x8b: {  	[tilespmem:s24], [sflag:$0x1] =	stream.linear.gather [hbm4b:s0+s2], $0x80, $0x38;
	[tilespmem:$0x10200] =	vst v63  }
0x8c: {  	s28 =	spop (v2sf);
	(v2sf) =	vpush v0, $0x8  }
0x8d: {  	s0 =	sand.u32 $0x1FFFFFF0, s25  }
0x8e: {  	s26 =	sadd.s32 $0x380, s11;
	s0 =	sadd.s32 s3, s0;
	s30 =	spop (v2sf);
	(v2sf) =	vpush v0, $0x9  }
0x8f: {  	[tilespmem:s26], [sflag:$0x1] =	stream.linear.gather [hbm4b:s0+s2], $0x80, $0x38;
	[tilespmem:$0x10200] =	vst v63  }
0x90: {  	s0 =	sand.u32 $0x1FFFFFF0, s28;
	s4 =	spop (v2sf);
	(v2sf) =	vpush v0, $0xA  }
0x91: {  	s29 =	sadd.s32 $0x400, s11;
	s0 =	sadd.s32 s3, s0  }
0x92: {  	[tilespmem:s29], [sflag:$0x1] =	stream.linear.gather [hbm4b:s0+s2], $0x80, $0x38;
	[tilespmem:$0x10200] =	vst v63  }
0x93: {  	s9 =	spop (v2sf);
	(v2sf) =	vpush v0, $0xB  }
0x94: {  	s0 =	sand.u32 $0x1FFFFFF0, s30  }
0x95: {  	s31 =	sadd.s32 $0x480, s11;
	s0 =	sadd.s32 s3, s0  }
0x96: {  	[tilespmem:s31], [sflag:$0x1] =	stream.linear.gather [hbm4b:s0+s2], $0x80, $0x38;
	[tilespmem:$0x10200] =	vst v63  }
0x97: {  	s0 =	sand.u32 $0x1FFFFFF0, s4  }
0x98: {  	s5 =	sadd.s32 $0x500, s11;
	s0 =	sadd.s32 s3, s0  }
0x99: {  	[tilespmem:s5], [sflag:$0x1] =	stream.linear.gather [hbm4b:s0+s2], $0x80, $0x38;
	[tilespmem:$0x10200] =	vst v63  }
0x9a: {  	s0 =	sand.u32 $0x1FFFFFF0, s9  }
0x9b: {  	s12 =	sadd.s32 $0x580, s11;
	s0 =	sadd.s32 s3, s0;
	s13 =	spop (v2sf);
	(v2sf) =	vpush v0, $0xC  }
0x9c: {  	[tilespmem:s12], [sflag:$0x1] =	stream.linear.gather [hbm4b:s0+s2], $0x80, $0x38;
	[tilespmem:$0x10200] =	vst v63  }
0x9d: {  	s15 =	spop (v2sf);
	(v2sf) =	vpush v0, $0xD  }
0x9e: {  	s0 =	sand.u32 $0x1FFFFFF0, s13  }
0x9f: {  	s14 =	sadd.s32 $0x600, s11;
	s0 =	sadd.s32 s3, s0;
	s17 =	spop (v2sf)  }
0xa0: {  	(v2sf) =	vpush v0, $0xE;
	[tilespmem:s14], [sflag:$0x1] =	stream.linear.gather [hbm4b:s0+s2], $0x80, $0x38;
	[tilespmem:$0x10200] =	vst v63  }
0xa1: {  	s0 =	sand.u32 $0x1FFFFFF0, s15  }
0xa2: {  	s16 =	sadd.s32 $0x680, s11;
	s19 =	spop (v2sf);
	s0 =	sadd.s32 s3, s0  }
0xa3: {  	(v2sf) =	vpush v0, $0xF;
	[tilespmem:s16], [sflag:$0x1] =	stream.linear.gather [hbm4b:s0+s2], $0x80, $0x38;
	[tilespmem:$0x10200] =	vst v63  }
0xa4: {  	s0 =	sand.u32 $0x1FFFFFF0, s17  }
0xa5: {  	s18 =	sadd.s32 $0x700, s11;
	s0 =	sadd.s32 s3, s0  }
0xa6: {  	[tilespmem:s18], [sflag:$0x1] =	stream.linear.gather [hbm4b:s0+s2], $0x80, $0x38;
	[tilespmem:$0x10200] =	vst v63  }
0xa7: {  	s0 =	sand.u32 $0x1FFFFFF0, s19  }
0xa8: {  	s20 =	sadd.s32 $0x780, s11;
	s0 =	sadd.s32 s3, s0  }
0xa9: {  	[tilespmem:s20], [sflag:$0x1] =	stream.linear.gather [hbm4b:s0+s2], $0x80, $0x38;
	[tilespmem:$0x10200] =	vst v63  }
0xaa: {  	s21 =	spop (v2sf)  }
0xab: {  	s0 =	sand.u32 $0x1FFFFFF0, s21  }
0xac: {  	s22 =	sadd.s32 $0x800, s11;
	s23 =	spop (v2sf);
	s0 =	sadd.s32 s3, s0  }
0xad: {  	[tilespmem:s22], [sflag:$0x1] =	stream.linear.gather [hbm4b:s0+s2], $0x80, $0x38;
	[tilespmem:$0x10200] =	vst v63  }
0xae: {  	s0 =	sand.u32 $0x1FFFFFF0, s23  }
0xaf: {  	s24 =	sadd.s32 $0x880, s11;
	s25 =	spop (v2sf);
	s0 =	sadd.s32 s3, s0  }
0xb0: {  	[tilespmem:s24], [sflag:$0x1] =	stream.linear.gather [hbm4b:s0+s2], $0x80, $0x38;
	[tilespmem:$0x10200] =	vst v63  }
0xb1: {  	s0 =	sand.u32 $0x1FFFFFF0, s25  }
0xb2: {  	s26 =	sadd.s32 $0x900, s11;
	s28 =	spop (v2sf);
	s0 =	sadd.s32 s3, s0  }
0xb3: {  	[tilespmem:s26], [sflag:$0x1] =	stream.linear.gather [hbm4b:s0+s2], $0x80, $0x38;
	[tilespmem:$0x10200] =	vst v63  }
0xb4: {  	s0 =	sand.u32 $0x1FFFFFF0, s28  }
0xb5: {  	p0 =	por p0, p0;
	s29 =	sadd.s32 $0x980, s11;
	s0 =	sadd.s32 s3, s0  }
0xb6: {  	[tilespmem:s29], [sflag:$0x1] =	stream.linear.gather [hbm4b:s0+s2], $0x80, $0x38;
	[tilespmem:$0x10200] =	vst v63  }
0xb7: {  	s0 =	simm.s32 @!p0 $0x1  }
0xb8: {  	_ =	swait.ge @!p0 [sflag:s0], $0x800  }
0xb9: {  	[sflag:s0] =	ssyncset.done @!p0 $0x0  }
0xba: {  	[sflag:s0] =	ssyncadd.s32 @!p0 $0xFFFFF800  }
0xbb: {  	_ =	swait.ge [sflag:s8], $0x800  }
0xbc: {  	[sflag:s8] =	ssyncset.done $0x0  }
0xbd: {  	[sflag:s8] =	ssyncadd.s32 $0xFFFFF800  }
0xbe: {  	_ =	swait.ge [sflag:s8], $0x800  }
0xbf: {  	[sflag:s8] =	ssyncset.done $0x0  }
0xc0: {  	[sflag:s8] =	ssyncadd.s32 $0xFFFFF800  }
0xc1: {  	_ =	swait.ge [sflag:s8], $0x800  }
0xc2: {  	[sflag:s8] =	ssyncset.done $0x0  }
0xc3: {  	[sflag:s8] =	ssyncadd.s32 $0xFFFFF800  }
0xc4: {  	s10 =	sadd.s32 $0x1, s10;
	_ =	swait.ge [sflag:s8], $0x800  }
0xc5: {  	s31 =	simm.s32 $0x200;
	p0 =	sne.s32 s10, s6;
	[sflag:s8] =	ssyncset.done $0x0  }
.Ltmp1:
0xc6: {  	s30 =	rddreg [dreg:$0x4];
	[sflag:s8] =	ssyncadd.s32 $0xFFFFF800;
	(pc) =	sbr.rel @p0 .LBB2_1-.Ltmp1, $4  }
0xc7: {  	[hbm4b:s30+s2] =	stream.linear.scatter [tilespmem:s31], [sflag:$0x2], $0x10000, $0x38;
	[tilespmem:$0x10200] =	vst v63  }
0xc8: {  	_ =	swait.ge [sflag:s7], $0x10000  }
0xc9: {  	[sflag:s7] =	ssyncset.done $0x0  }
0xca: {  	[sflag:s7] =	ssyncadd.s32 $0xFFFF0000  }
0xcb: {  	_ =	sfence.sel $0x180000  }
0xcc: {  	[bflag:$0x0] =	sbarrier.arrive $0xFFFF  }
0xcd: {  	_ =	strace $0x90000047  }
0xce: {  	s0 =	stileid.u32;
	[bflag:$0x2] =	sbarrier.arrive $0xFFFF  }
0xcf: {  	p0 =	sne.s32 s0, $0x0;
	s0 =	rddreg [dreg:$0x2]  }
0xd0: {  	s0 =	sadd.s32 @!p0 $0x100000, s0  }
0xd1: {  	[sflag:s0] =	ssyncadd.tile.s32 @!p0 $0x1;
	_ =	shalt  }
.Lfunc_end2:
_tile_overlayer_lowered:
.L_overlay_start_2:
0xd2: {  	(tag) =	ssettag $0x2  }
0xd3: {  	s0 =	rddreg [dreg:$0x0];
	s2 =	stileid.u32  }
0xd4: {  	s1 =	rddreg [dreg:$0x1];
	p0 =	sne.s32 s2, $0x0  }
0xd5: {  	s3 =	rddreg [dreg:$0x2];
	[bflag:$0x3] =	sbarrier.arrive $0xFFFF;
	s2 =	simm.s32 @!p0 $0x1C02  }
0xd6: {  	[timem:s3], [sflag:s2] =	dma.local @!p0 [hbm:s0], s1  }
0xd7: {  	s0 =	simm.s32 @!p0 $0x2  }
0xd8: {  	_ =	swait.ge @!p0 [sflag:s0], s1  }
0xd9: {  	s1 =	ssub.s32 @!p0 $0x0, s1;
	[sflag:s0] =	ssyncset.done @!p0 $0x0  }
0xda: {  	[sflag:s0] =	ssyncadd.s32 @!p0 s1  }
0xdb: {  	[bflag:$0x3] =	sbarrier.arrive $0xFFFF  }
0xdc: {  	_ =	shalt  }

</sc_bundles>
